<compile_context>
chip_gen: v7x
topology: tpu7x:2x2x1
jax: 0.10.2.dev20260603
libtpu: 0.0.44.dev20260713+nightly
codegen_flags: <defaults>
</compile_context>

<pallas_src>
import functools

import jax
import jax.numpy as jnp
from jax import lax
from jax.experimental import pallas as pl
from jax.experimental.pallas import tpu as pltpu
from jax.experimental.pallas import tpu_sc as plsc

BATCH = 16384
EMBED_D = 64
PAIR_D = 2 * EMBED_D
HIDDEN = 256

_NC = 2
_NS = 16
_NW = _NC * _NS
_BPW = BATCH // _NW
_CHUNK = 128
_NCHUNK = _BPW // _CHUNK

_TCOLS = 16384
_HALF = _TCOLS // 2
_BLK_SHIFT = _TCOLS.bit_length() - 1
_HALF_SHIFT = _BLK_SHIFT - 1
_HALF_MASK = _HALF - 1


def _relayout_body(in_ref, out_ref):
    x = in_ref[...]
    ta = lax.transpose(x[:, :_HALF], (1, 0))
    tb = lax.transpose(x[:, _HALF:], (1, 0))
    out_ref[...] = jnp.concatenate([ta, tb], axis=1)


def _relayout(table_t, n_rows):
    grid_n = -(-n_rows // _TCOLS)
    return pl.pallas_call(
        _relayout_body,
        grid=(grid_n,),
        in_specs=[pl.BlockSpec((EMBED_D, _TCOLS), lambda i: (0, i))],
        out_specs=pl.BlockSpec((_HALF, PAIR_D), lambda i: (i, 0)),
        out_shape=jax.ShapeDtypeStruct((grid_n * _HALF, PAIR_D),
                                       jnp.float32),
    )(table_t)


def _make_sc_gather(pair_rows):
    mesh = plsc.VectorSubcoreMesh(core_axis_name="c", subcore_axis_name="s")

    @functools.partial(
        pl.kernel,
        mesh=mesh,
        out_type=jax.ShapeDtypeStruct((BATCH, PAIR_D), jnp.float32),
        scratch_types=[
            pltpu.VMEM((_BPW,), jnp.int32),
            pltpu.VMEM((_BPW,), jnp.int32),
            pltpu.VMEM((_BPW, PAIR_D), jnp.float32),
            pltpu.SemaphoreType.DMA,
        ],
    )
    def gather_kernel(idx_hbm, tab_hbm, out_hbm, idx_v, pidx_v, rows_v, sem):
        wid = lax.axis_index("s") * _NC + lax.axis_index("c")
        base = wid * _BPW

        pltpu.sync_copy(idx_hbm.at[pl.ds(base, _BPW)], idx_v)

        @pl.loop(0, _BPW, step=16)
        def _(i):
            v = idx_v[pl.ds(i, 16)]
            hi = lax.shift_left(
                lax.shift_right_logical(v, _BLK_SHIFT), _HALF_SHIFT)
            lo = lax.bitwise_and(v, _HALF_MASK)
            pidx_v[pl.ds(i, 16)] = lax.bitwise_or(hi, lo)

        copies = []
        for c in range(_NCHUNK):
            copies.append(pltpu.async_copy(
                tab_hbm.at[pidx_v.at[pl.ds(c * _CHUNK, _CHUNK)]],
                rows_v.at[pl.ds(c * _CHUNK, _CHUNK), :],
                sem,
            ))
        for cp in copies:
            cp.wait()

        pltpu.sync_copy(rows_v, out_hbm.at[pl.ds(base, _BPW)])

    return gather_kernel


_USER_PAD = -(-1000000 // _TCOLS) * _HALF
_MOVIE_PAD = -(-100000 // _TCOLS) * _HALF
_gather_user = _make_sc_gather(_USER_PAD)
_gather_movie = _make_sc_gather(_MOVIE_PAD)

_ROWS_BLK = 2048


def _mlp_body(up_ref, mp_ref, ids_ref, w1_ref, w2_ref, b_ref, o_ref):
    up = up_ref[...]
    mp = mp_ref[...]
    uid = ids_ref[:, 0:1]
    mid = ids_ref[:, 1:2]
    usel = (lax.shift_right_logical(uid, _HALF_SHIFT) & 1) == 1
    msel = (lax.shift_right_logical(mid, _HALF_SHIFT) & 1) == 1
    u = jnp.where(usel, up[:, EMBED_D:], up[:, :EMBED_D])
    m = jnp.where(msel, mp[:, EMBED_D:], mp[:, :EMBED_D])
    acc = jnp.dot(u, w1_ref[...], preferred_element_type=jnp.float32)
    acc = acc + jnp.dot(m, w2_ref[...], preferred_element_type=jnp.float32)
    acc = acc + b_ref[...]
    o_ref[...] = jnp.maximum(acc, 0.0)


def _mlp(u_pairs, m_pairs, users, movies, W, b):
    w1 = W[:EMBED_D]
    w2 = W[EMBED_D:]
    b2 = b.reshape(1, HIDDEN)
    ids = jnp.stack([users, movies], axis=1)
    grid = (BATCH // _ROWS_BLK,)
    return pl.pallas_call(
        _mlp_body,
        grid=grid,
        in_specs=[
            pl.BlockSpec((_ROWS_BLK, PAIR_D), lambda i: (i, 0)),
            pl.BlockSpec((_ROWS_BLK, PAIR_D), lambda i: (i, 0)),
            pl.BlockSpec((_ROWS_BLK, 2), lambda i: (i, 0)),
            pl.BlockSpec((EMBED_D, HIDDEN), lambda i: (0, 0)),
            pl.BlockSpec((EMBED_D, HIDDEN), lambda i: (0, 0)),
            pl.BlockSpec((1, HIDDEN), lambda i: (0, 0)),
        ],
        out_specs=pl.BlockSpec((_ROWS_BLK, HIDDEN), lambda i: (i, 0)),
        out_shape=jax.ShapeDtypeStruct((BATCH, HIDDEN), jnp.float32),
    )(u_pairs, m_pairs, ids, w1, w2, b2)


@jax.jit
def kernel(users, movies, user_table, movie_table, W, b):
    users = users.astype(jnp.int32)
    movies = movies.astype(jnp.int32)
    mt2 = _relayout(movie_table.T, movie_table.shape[0])
    m_pairs = _gather_movie(movies, mt2)
    ut2 = _relayout(user_table.T, user_table.shape[0])
    u_pairs = _gather_user(users, ut2)
    return _mlp(u_pairs, m_pairs, users, movies, W, b)

# --- scband reference (transcript-rebuilt; emitter-appended) ---
"""Pipeline reference for scband-base-recommender-86543591015221 (READ-ONLY COPY).

The authoritative reference and input builder live on the scoring server;
editing this copy changes nothing except your own understanding.
"""

import jax, jax.numpy as jnp
import numpy as np

NUM_USERS = 1000000
NUM_MOVIES = 100000
EMBED_D = 64
HIDDEN = 256
BATCH = 16384

def setup_inputs(seed: int = 0) -> dict:
    key = jax.random.key(seed)
    k1, k2, k3, k4, k5, k6 = jax.random.split(key, 6)
    users = jax.random.randint(k1, (BATCH,), 0, NUM_USERS, dtype=jnp.int64 if jax.config.jax_enable_x64 else jnp.int32)
    movies = jax.random.randint(k2, (BATCH,), 0, NUM_MOVIES, dtype=jnp.int64 if jax.config.jax_enable_x64 else jnp.int32)
    user_table = jax.random.normal(k3, (NUM_USERS, EMBED_D), dtype=jnp.float32)
    movie_table = jax.random.normal(k4, (NUM_MOVIES, EMBED_D), dtype=jnp.float32)
    # Linear: in_features = 2*EMBED_D, out_features = HIDDEN
    lim = 1.0 / np.sqrt(2 * EMBED_D)
    W = jax.random.uniform(k5, (2 * EMBED_D, HIDDEN), minval=-lim, maxval=lim, dtype=jnp.float32)
    b = jax.random.uniform(k6, (HIDDEN,), minval=-lim, maxval=lim, dtype=jnp.float32)
    return {"users": users, "movies": movies, "user_table": user_table, "movie_table": movie_table, "W": W, "b": b}

def reference(users, movies, user_table, movie_table, W, b):
    embedded_users = jnp.take(user_table, users, axis=0)
    embedded_movies = jnp.take(movie_table, movies, axis=0)
    merged = jnp.concatenate((embedded_users, embedded_movies), axis=1)
    out = jnp.maximum(merged @ W + b, 0.0)
    return out

if __name__ == "__main__":
    import jax
    _d = setup_inputs()
    print(jax.jit(kernel)(*tuple(_d.values())))

</pallas_src>

<mosaic_0001>
#map = affine_map<(d0, d1) -> (0)>
#map1 = affine_map<(d0, d1) -> (0, 0)>
module attributes {stable_mosaic.version = 14 : i64} {
  func.func @gather_kernel(%arg0: i32, %arg1: i32, %arg2: memref<16384xi32, #tpu.memory_space<hbm>>, %arg3: memref<507904x128xf32, #tpu.memory_space<hbm>>, %arg4: memref<16384x128xf32, #tpu.memory_space<hbm>>, %arg5: memref<512xi32, #tpu.memory_space<vmem>>, %arg6: memref<512xi32, #tpu.memory_space<vmem>>, %arg7: memref<512x128xf32, #tpu.memory_space<vmem>>, %arg8: memref<!tpu.dma_semaphore, #tpu.memory_space<semaphore_mem>>) attributes {dimension_semantics = [#tpu.dimension_semantics<core_parallel>, #tpu.dimension_semantics<subcore_parallel>], iteration_bounds = array<i64: 2, 16>, scalar_prefetch = 0 : i64, scratch_operands = 4 : i64, tpu.core_type = #tpu.core_type<sc_vector_subcore>, window_params = [{transform_indices = #map}, {transform_indices = #map1}, {transform_indices = #map1}]} {
    %mul3A = arith.constant 2 : i32
    %mul3A_0 = arith.muli %arg1, %mul3A : i32
    %add3A = arith.addi %mul3A_0, %arg0 : i32
    %mul3A_1 = arith.constant 512 : i32
    %mul3A_2 = arith.muli %add3A, %mul3A_1 : i32
    "tpu.region"() ({
      %run_scoped3A = tpu.sem_alloc : memref<!tpu.dma_semaphore, #tpu.memory_space<semaphore_mem>>
      %dma_start3A_69 = tpu.memref_slice %arg2[%mul3A_2] : memref<16384xi32, #tpu.memory_space<hbm>> -> memref<512xi32, #tpu.memory_space<hbm>>
      %dma_start3A_70 = tpu.memref_slice %arg2[%mul3A_2] : memref<16384xi32, #tpu.memory_space<hbm>> -> memref<512xi32, #tpu.memory_space<hbm>>
      tpu.enqueue_dma source(%dma_start3A_70 : memref<512xi32, #tpu.memory_space<hbm>>) target(%arg5 : memref<512xi32, #tpu.memory_space<vmem>>) target_semaphore(%run_scoped3A : memref<!tpu.dma_semaphore, #tpu.memory_space<semaphore_mem>>)
      %dma_wait3A_71 = tpu.memref_slice %arg2[%mul3A_2] : memref<16384xi32, #tpu.memory_space<hbm>> -> memref<512xi32, #tpu.memory_space<hbm>>
      %dma_wait3A_72 = tpu.memref_slice %arg2[%mul3A_2] : memref<16384xi32, #tpu.memory_space<hbm>> -> memref<512xi32, #tpu.memory_space<hbm>>
      tpu.wait_dma2 semaphore(%run_scoped3A : memref<!tpu.dma_semaphore, #tpu.memory_space<semaphore_mem>>) src(%dma_wait3A_72 : memref<512xi32, #tpu.memory_space<hbm>>) dst(%arg5 : memref<512xi32, #tpu.memory_space<vmem>>)
      tpu.yield
    }) : () -> ()
    %scan3A = arith.constant 0 : i32
    %scan3A_3 = arith.constant 32 : i32
    %scan3A_4 = arith.addi %scan3A, %scan3A_3 : i32
    %scan3A_5 = arith.constant 1 : i32
    scf.for %scan3A_69 = %scan3A to %scan3A_4 step %scan3A_5  : i32 {
      %mul3A_70 = arith.constant 16 : i32
      %mul3A_71 = arith.muli %scan3A_69, %mul3A_70 : i32
      %add3A_72 = arith.constant 0 : i32
      %add3A_73 = arith.addi %add3A_72, %mul3A_71 : i32
      %get3A = arith.index_cast %add3A_73 : i32 to index
      %get3A_74 = tpu.vector_load %arg5[%get3A] {strides = array<i32>} : memref<512xi32, #tpu.memory_space<vmem>>, vector<16xi32>,
      %get3A_75 = vector.shape_cast %get3A_74 : vector<16xi32> to vector<16xi32>
      %shift_right_logical3A = arith.constant 14 : i32
      %shift_right_logical3A_76 = vector.broadcast %shift_right_logical3A : i32 to vector<16xi32>
      %shift_right_logical3A_77 = arith.shrui %get3A_75, %shift_right_logical3A_76 : vector<16xi32>
      %shift_left3A = arith.constant 13 : i32
      %shift_left3A_78 = vector.broadcast %shift_left3A : i32 to vector<16xi32>
      %shift_left3A_79 = arith.shli %shift_right_logical3A_77, %shift_left3A_78 : vector<16xi32>
      %and3A = arith.constant 8191 : i32
      %and3A_80 = vector.broadcast %and3A : i32 to vector<16xi32>
      %and3A_81 = arith.andi %get3A_75, %and3A_80 : vector<16xi32>
      %or3A = arith.ori %shift_left3A_79, %and3A_81 : vector<16xi32>
      %swap3A = arith.index_cast %add3A_73 : i32 to index
      %swap3A_82 = tpu.vector_load %arg6[%swap3A] {strides = array<i32>} : memref<512xi32, #tpu.memory_space<vmem>>, vector<16xi32>,
      %swap3A_83 = vector.shape_cast %swap3A_82 : vector<16xi32> to vector<16xi32>
      %swap3A_84 = vector.shape_cast %or3A : vector<16xi32> to vector<16xi32>
      tpu.vector_store %arg6[%swap3A], %swap3A_84 {strides = array<i32>} : memref<512xi32, #tpu.memory_space<vmem>>, vector<16xi32>,
    }
    %scan3A_6 = arith.constant 32 : i32
    %dma_start3A = arith.constant 0 : i32
    %dma_start3A_7 = arith.constant 0 : i32
    %dma_start3A_8 = tpu.memref_slice %arg7[%dma_start3A, %dma_start3A_7] : memref<512x128xf32, #tpu.memory_space<vmem>> -> memref<128x128xf32, #tpu.memory_space<vmem>>
    %dma_start3A_9 = arith.constant 0 : i32
    %dma_start3A_10 = tpu.memref_slice %arg6[%dma_start3A_9] : memref<512xi32, #tpu.memory_space<vmem>> -> memref<128xi32, #tpu.memory_space<vmem>>
    %dma_start3A_11 = arith.constant 0 : i32
    %dma_start3A_12 = arith.constant 0 : i32
    %dma_start3A_13 = tpu.memref_slice %arg3[%dma_start3A_11, %dma_start3A_12] : memref<507904x128xf32, #tpu.memory_space<hbm>> -> memref<507904x128xf32, #tpu.memory_space<hbm>>
    tpu.enqueue_indirect_dma source(%dma_start3A_13 : memref<507904x128xf32, #tpu.memory_space<hbm>>) target(%dma_start3A_8 : memref<128x128xf32, #tpu.memory_space<vmem>>) offsets(%dma_start3A_10 : memref<128xi32, #tpu.memory_space<vmem>>) semaphore(%arg8 : memref<!tpu.dma_semaphore, #tpu.memory_space<semaphore_mem>>)
    %dma_start3A_14 = arith.constant 128 : i32
    %dma_start3A_15 = arith.constant 0 : i32
    %dma_start3A_16 = tpu.memref_slice %arg7[%dma_start3A_14, %dma_start3A_15] : memref<512x128xf32, #tpu.memory_space<vmem>> -> memref<128x128xf32, #tpu.memory_space<vmem>>
    %dma_start3A_17 = arith.constant 128 : i32
    %dma_start3A_18 = tpu.memref_slice %arg6[%dma_start3A_17] : memref<512xi32, #tpu.memory_space<vmem>> -> memref<128xi32, #tpu.memory_space<vmem>>
    %dma_start3A_19 = arith.constant 0 : i32
    %dma_start3A_20 = arith.constant 0 : i32
    %dma_start3A_21 = tpu.memref_slice %arg3[%dma_start3A_19, %dma_start3A_20] : memref<507904x128xf32, #tpu.memory_space<hbm>> -> memref<507904x128xf32, #tpu.memory_space<hbm>>
    tpu.enqueue_indirect_dma source(%dma_start3A_21 : memref<507904x128xf32, #tpu.memory_space<hbm>>) target(%dma_start3A_16 : memref<128x128xf32, #tpu.memory_space<vmem>>) offsets(%dma_start3A_18 : memref<128xi32, #tpu.memory_space<vmem>>) semaphore(%arg8 : memref<!tpu.dma_semaphore, #tpu.memory_space<semaphore_mem>>)
    %dma_start3A_22 = arith.constant 256 : i32
    %dma_start3A_23 = arith.constant 0 : i32
    %dma_start3A_24 = tpu.memref_slice %arg7[%dma_start3A_22, %dma_start3A_23] : memref<512x128xf32, #tpu.memory_space<vmem>> -> memref<128x128xf32, #tpu.memory_space<vmem>>
    %dma_start3A_25 = arith.constant 256 : i32
    %dma_start3A_26 = tpu.memref_slice %arg6[%dma_start3A_25] : memref<512xi32, #tpu.memory_space<vmem>> -> memref<128xi32, #tpu.memory_space<vmem>>
    %dma_start3A_27 = arith.constant 0 : i32
    %dma_start3A_28 = arith.constant 0 : i32
    %dma_start3A_29 = tpu.memref_slice %arg3[%dma_start3A_27, %dma_start3A_28] : memref<507904x128xf32, #tpu.memory_space<hbm>> -> memref<507904x128xf32, #tpu.memory_space<hbm>>
    tpu.enqueue_indirect_dma source(%dma_start3A_29 : memref<507904x128xf32, #tpu.memory_space<hbm>>) target(%dma_start3A_24 : memref<128x128xf32, #tpu.memory_space<vmem>>) offsets(%dma_start3A_26 : memref<128xi32, #tpu.memory_space<vmem>>) semaphore(%arg8 : memref<!tpu.dma_semaphore, #tpu.memory_space<semaphore_mem>>)
    %dma_start3A_30 = arith.constant 384 : i32
    %dma_start3A_31 = arith.constant 0 : i32
    %dma_start3A_32 = tpu.memref_slice %arg7[%dma_start3A_30, %dma_start3A_31] : memref<512x128xf32, #tpu.memory_space<vmem>> -> memref<128x128xf32, #tpu.memory_space<vmem>>
    %dma_start3A_33 = arith.constant 384 : i32
    %dma_start3A_34 = tpu.memref_slice %arg6[%dma_start3A_33] : memref<512xi32, #tpu.memory_space<vmem>> -> memref<128xi32, #tpu.memory_space<vmem>>
    %dma_start3A_35 = arith.constant 0 : i32
    %dma_start3A_36 = arith.constant 0 : i32
    %dma_start3A_37 = tpu.memref_slice %arg3[%dma_start3A_35, %dma_start3A_36] : memref<507904x128xf32, #tpu.memory_space<hbm>> -> memref<507904x128xf32, #tpu.memory_space<hbm>>
    tpu.enqueue_indirect_dma source(%dma_start3A_37 : memref<507904x128xf32, #tpu.memory_space<hbm>>) target(%dma_start3A_32 : memref<128x128xf32, #tpu.memory_space<vmem>>) offsets(%dma_start3A_34 : memref<128xi32, #tpu.memory_space<vmem>>) semaphore(%arg8 : memref<!tpu.dma_semaphore, #tpu.memory_space<semaphore_mem>>)
    %dma_wait3A = arith.constant 0 : i32
    %dma_wait3A_38 = arith.constant 0 : i32
    %dma_wait3A_39 = tpu.memref_slice %arg7[%dma_wait3A, %dma_wait3A_38] : memref<512x128xf32, #tpu.memory_space<vmem>> -> memref<128x128xf32, #tpu.memory_space<vmem>>
    %dma_wait3A_40 = arith.constant 0 : i32
    %dma_wait3A_41 = tpu.memref_slice %arg6[%dma_wait3A_40] : memref<512xi32, #tpu.memory_space<vmem>> -> memref<128xi32, #tpu.memory_space<vmem>>
    %dma_wait3A_42 = arith.constant 0 : i32
    %dma_wait3A_43 = arith.constant 0 : i32
    %dma_wait3A_44 = tpu.memref_slice %arg3[%dma_wait3A_42, %dma_wait3A_43] : memref<507904x128xf32, #tpu.memory_space<hbm>> -> memref<507904x128xf32, #tpu.memory_space<hbm>>
    tpu.wait_indirect_dma semaphore(%arg8 : memref<!tpu.dma_semaphore, #tpu.memory_space<semaphore_mem>>) src(%dma_wait3A_44 : memref<507904x128xf32, #tpu.memory_space<hbm>>) dst(%dma_wait3A_39 : memref<128x128xf32, #tpu.memory_space<vmem>>)
    %dma_wait3A_45 = arith.constant 128 : i32
    %dma_wait3A_46 = arith.constant 0 : i32
    %dma_wait3A_47 = tpu.memref_slice %arg7[%dma_wait3A_45, %dma_wait3A_46] : memref<512x128xf32, #tpu.memory_space<vmem>> -> memref<128x128xf32, #tpu.memory_space<vmem>>
    %dma_wait3A_48 = arith.constant 128 : i32
    %dma_wait3A_49 = tpu.memref_slice %arg6[%dma_wait3A_48] : memref<512xi32, #tpu.memory_space<vmem>> -> memref<128xi32, #tpu.memory_space<vmem>>
    %dma_wait3A_50 = arith.constant 0 : i32
    %dma_wait3A_51 = arith.constant 0 : i32
    %dma_wait3A_52 = tpu.memref_slice %arg3[%dma_wait3A_50, %dma_wait3A_51] : memref<507904x128xf32, #tpu.memory_space<hbm>> -> memref<507904x128xf32, #tpu.memory_space<hbm>>
    tpu.wait_indirect_dma semaphore(%arg8 : memref<!tpu.dma_semaphore, #tpu.memory_space<semaphore_mem>>) src(%dma_wait3A_52 : memref<507904x128xf32, #tpu.memory_space<hbm>>) dst(%dma_wait3A_47 : memref<128x128xf32, #tpu.memory_space<vmem>>)
    %dma_wait3A_53 = arith.constant 256 : i32
    %dma_wait3A_54 = arith.constant 0 : i32
    %dma_wait3A_55 = tpu.memref_slice %arg7[%dma_wait3A_53, %dma_wait3A_54] : memref<512x128xf32, #tpu.memory_space<vmem>> -> memref<128x128xf32, #tpu.memory_space<vmem>>
    %dma_wait3A_56 = arith.constant 256 : i32
    %dma_wait3A_57 = tpu.memref_slice %arg6[%dma_wait3A_56] : memref<512xi32, #tpu.memory_space<vmem>> -> memref<128xi32, #tpu.memory_space<vmem>>
    %dma_wait3A_58 = arith.constant 0 : i32
    %dma_wait3A_59 = arith.constant 0 : i32
    %dma_wait3A_60 = tpu.memref_slice %arg3[%dma_wait3A_58, %dma_wait3A_59] : memref<507904x128xf32, #tpu.memory_space<hbm>> -> memref<507904x128xf32, #tpu.memory_space<hbm>>
    tpu.wait_indirect_dma semaphore(%arg8 : memref<!tpu.dma_semaphore, #tpu.memory_space<semaphore_mem>>) src(%dma_wait3A_60 : memref<507904x128xf32, #tpu.memory_space<hbm>>) dst(%dma_wait3A_55 : memref<128x128xf32, #tpu.memory_space<vmem>>)
    %dma_wait3A_61 = arith.constant 384 : i32
    %dma_wait3A_62 = arith.constant 0 : i32
    %dma_wait3A_63 = tpu.memref_slice %arg7[%dma_wait3A_61, %dma_wait3A_62] : memref<512x128xf32, #tpu.memory_space<vmem>> -> memref<128x128xf32, #tpu.memory_space<vmem>>
    %dma_wait3A_64 = arith.constant 384 : i32
    %dma_wait3A_65 = tpu.memref_slice %arg6[%dma_wait3A_64] : memref<512xi32, #tpu.memory_space<vmem>> -> memref<128xi32, #tpu.memory_space<vmem>>
    %dma_wait3A_66 = arith.constant 0 : i32
    %dma_wait3A_67 = arith.constant 0 : i32
    %dma_wait3A_68 = tpu.memref_slice %arg3[%dma_wait3A_66, %dma_wait3A_67] : memref<507904x128xf32, #tpu.memory_space<hbm>> -> memref<507904x128xf32, #tpu.memory_space<hbm>>
    tpu.wait_indirect_dma semaphore(%arg8 : memref<!tpu.dma_semaphore, #tpu.memory_space<semaphore_mem>>) src(%dma_wait3A_68 : memref<507904x128xf32, #tpu.memory_space<hbm>>) dst(%dma_wait3A_63 : memref<128x128xf32, #tpu.memory_space<vmem>>)
    "tpu.region"() ({
      %run_scoped3A = tpu.sem_alloc : memref<!tpu.dma_semaphore, #tpu.memory_space<semaphore_mem>>
      %dma_start3A_69 = arith.constant 0 : i32
      %dma_start3A_70 = tpu.memref_slice %arg4[%mul3A_2, %dma_start3A_69] : memref<16384x128xf32, #tpu.memory_space<hbm>> -> memref<512x128xf32, #tpu.memory_space<hbm>>
      %dma_start3A_71 = arith.constant 0 : i32
      %dma_start3A_72 = tpu.memref_slice %arg4[%mul3A_2, %dma_start3A_71] : memref<16384x128xf32, #tpu.memory_space<hbm>> -> memref<512x128xf32, #tpu.memory_space<hbm>>
      tpu.enqueue_dma source(%arg7 : memref<512x128xf32, #tpu.memory_space<vmem>>) target(%dma_start3A_72 : memref<512x128xf32, #tpu.memory_space<hbm>>) target_semaphore(%run_scoped3A : memref<!tpu.dma_semaphore, #tpu.memory_space<semaphore_mem>>)
      %dma_wait3A_73 = arith.constant 0 : i32
      %dma_wait3A_74 = tpu.memref_slice %arg4[%mul3A_2, %dma_wait3A_73] : memref<16384x128xf32, #tpu.memory_space<hbm>> -> memref<512x128xf32, #tpu.memory_space<hbm>>
      %dma_wait3A_75 = arith.constant 0 : i32
      %dma_wait3A_76 = tpu.memref_slice %arg4[%mul3A_2, %dma_wait3A_75] : memref<16384x128xf32, #tpu.memory_space<hbm>> -> memref<512x128xf32, #tpu.memory_space<hbm>>
      tpu.wait_dma2 semaphore(%run_scoped3A : memref<!tpu.dma_semaphore, #tpu.memory_space<semaphore_mem>>) src(%arg7 : memref<512x128xf32, #tpu.memory_space<vmem>>) dst(%dma_wait3A_76 : memref<512x128xf32, #tpu.memory_space<hbm>>)
      tpu.yield
    }) : () -> ()
    return
  }
}

#map = affine_map<(d0, d1) -> (0)>
#map1 = affine_map<(d0, d1) -> (0, 0)>
module attributes {stable_mosaic.version = 14 : i64} {
  func.func @gather_kernel(%arg0: i32, %arg1: i32, %arg2: memref<16384xi32, #tpu.memory_space<hbm>>, %arg3: memref<57344x128xf32, #tpu.memory_space<hbm>>, %arg4: memref<16384x128xf32, #tpu.memory_space<hbm>>, %arg5: memref<512xi32, #tpu.memory_space<vmem>>, %arg6: memref<512xi32, #tpu.memory_space<vmem>>, %arg7: memref<512x128xf32, #tpu.memory_space<vmem>>, %arg8: memref<!tpu.dma_semaphore, #tpu.memory_space<semaphore_mem>>) attributes {dimension_semantics = [#tpu.dimension_semantics<core_parallel>, #tpu.dimension_semantics<subcore_parallel>], iteration_bounds = array<i64: 2, 16>, scalar_prefetch = 0 : i64, scratch_operands = 4 : i64, tpu.core_type = #tpu.core_type<sc_vector_subcore>, window_params = [{transform_indices = #map}, {transform_indices = #map1}, {transform_indices = #map1}]} {
    %mul3A = arith.constant 2 : i32
    %mul3A_0 = arith.muli %arg1, %mul3A : i32
    %add3A = arith.addi %mul3A_0, %arg0 : i32
    %mul3A_1 = arith.constant 512 : i32
    %mul3A_2 = arith.muli %add3A, %mul3A_1 : i32
    "tpu.region"() ({
      %run_scoped3A = tpu.sem_alloc : memref<!tpu.dma_semaphore, #tpu.memory_space<semaphore_mem>>
      %dma_start3A_69 = tpu.memref_slice %arg2[%mul3A_2] : memref<16384xi32, #tpu.memory_space<hbm>> -> memref<512xi32, #tpu.memory_space<hbm>>
      %dma_start3A_70 = tpu.memref_slice %arg2[%mul3A_2] : memref<16384xi32, #tpu.memory_space<hbm>> -> memref<512xi32, #tpu.memory_space<hbm>>
      tpu.enqueue_dma source(%dma_start3A_70 : memref<512xi32, #tpu.memory_space<hbm>>) target(%arg5 : memref<512xi32, #tpu.memory_space<vmem>>) target_semaphore(%run_scoped3A : memref<!tpu.dma_semaphore, #tpu.memory_space<semaphore_mem>>)
      %dma_wait3A_71 = tpu.memref_slice %arg2[%mul3A_2] : memref<16384xi32, #tpu.memory_space<hbm>> -> memref<512xi32, #tpu.memory_space<hbm>>
      %dma_wait3A_72 = tpu.memref_slice %arg2[%mul3A_2] : memref<16384xi32, #tpu.memory_space<hbm>> -> memref<512xi32, #tpu.memory_space<hbm>>
      tpu.wait_dma2 semaphore(%run_scoped3A : memref<!tpu.dma_semaphore, #tpu.memory_space<semaphore_mem>>) src(%dma_wait3A_72 : memref<512xi32, #tpu.memory_space<hbm>>) dst(%arg5 : memref<512xi32, #tpu.memory_space<vmem>>)
      tpu.yield
    }) : () -> ()
    %scan3A = arith.constant 0 : i32
    %scan3A_3 = arith.constant 32 : i32
    %scan3A_4 = arith.addi %scan3A, %scan3A_3 : i32
    %scan3A_5 = arith.constant 1 : i32
    scf.for %scan3A_69 = %scan3A to %scan3A_4 step %scan3A_5  : i32 {
      %mul3A_70 = arith.constant 16 : i32
      %mul3A_71 = arith.muli %scan3A_69, %mul3A_70 : i32
      %add3A_72 = arith.constant 0 : i32
      %add3A_73 = arith.addi %add3A_72, %mul3A_71 : i32
      %get3A = arith.index_cast %add3A_73 : i32 to index
      %get3A_74 = tpu.vector_load %arg5[%get3A] {strides = array<i32>} : memref<512xi32, #tpu.memory_space<vmem>>, vector<16xi32>,
      %get3A_75 = vector.shape_cast %get3A_74 : vector<16xi32> to vector<16xi32>
      %shift_right_logical3A = arith.constant 14 : i32
      %shift_right_logical3A_76 = vector.broadcast %shift_right_logical3A : i32 to vector<16xi32>
      %shift_right_logical3A_77 = arith.shrui %get3A_75, %shift_right_logical3A_76 : vector<16xi32>
      %shift_left3A = arith.constant 13 : i32
      %shift_left3A_78 = vector.broadcast %shift_left3A : i32 to vector<16xi32>
      %shift_left3A_79 = arith.shli %shift_right_logical3A_77, %shift_left3A_78 : vector<16xi32>
      %and3A = arith.constant 8191 : i32
      %and3A_80 = vector.broadcast %and3A : i32 to vector<16xi32>
      %and3A_81 = arith.andi %get3A_75, %and3A_80 : vector<16xi32>
      %or3A = arith.ori %shift_left3A_79, %and3A_81 : vector<16xi32>
      %swap3A = arith.index_cast %add3A_73 : i32 to index
      %swap3A_82 = tpu.vector_load %arg6[%swap3A] {strides = array<i32>} : memref<512xi32, #tpu.memory_space<vmem>>, vector<16xi32>,
      %swap3A_83 = vector.shape_cast %swap3A_82 : vector<16xi32> to vector<16xi32>
      %swap3A_84 = vector.shape_cast %or3A : vector<16xi32> to vector<16xi32>
      tpu.vector_store %arg6[%swap3A], %swap3A_84 {strides = array<i32>} : memref<512xi32, #tpu.memory_space<vmem>>, vector<16xi32>,
    }
    %scan3A_6 = arith.constant 32 : i32
    %dma_start3A = arith.constant 0 : i32
    %dma_start3A_7 = arith.constant 0 : i32
    %dma_start3A_8 = tpu.memref_slice %arg7[%dma_start3A, %dma_start3A_7] : memref<512x128xf32, #tpu.memory_space<vmem>> -> memref<128x128xf32, #tpu.memory_space<vmem>>
    %dma_start3A_9 = arith.constant 0 : i32
    %dma_start3A_10 = tpu.memref_slice %arg6[%dma_start3A_9] : memref<512xi32, #tpu.memory_space<vmem>> -> memref<128xi32, #tpu.memory_space<vmem>>
    %dma_start3A_11 = arith.constant 0 : i32
    %dma_start3A_12 = arith.constant 0 : i32
    %dma_start3A_13 = tpu.memref_slice %arg3[%dma_start3A_11, %dma_start3A_12] : memref<57344x128xf32, #tpu.memory_space<hbm>> -> memref<57344x128xf32, #tpu.memory_space<hbm>>
    tpu.enqueue_indirect_dma source(%dma_start3A_13 : memref<57344x128xf32, #tpu.memory_space<hbm>>) target(%dma_start3A_8 : memref<128x128xf32, #tpu.memory_space<vmem>>) offsets(%dma_start3A_10 : memref<128xi32, #tpu.memory_space<vmem>>) semaphore(%arg8 : memref<!tpu.dma_semaphore, #tpu.memory_space<semaphore_mem>>)
    %dma_start3A_14 = arith.constant 128 : i32
    %dma_start3A_15 = arith.constant 0 : i32
    %dma_start3A_16 = tpu.memref_slice %arg7[%dma_start3A_14, %dma_start3A_15] : memref<512x128xf32, #tpu.memory_space<vmem>> -> memref<128x128xf32, #tpu.memory_space<vmem>>
    %dma_start3A_17 = arith.constant 128 : i32
    %dma_start3A_18 = tpu.memref_slice %arg6[%dma_start3A_17] : memref<512xi32, #tpu.memory_space<vmem>> -> memref<128xi32, #tpu.memory_space<vmem>>
    %dma_start3A_19 = arith.constant 0 : i32
    %dma_start3A_20 = arith.constant 0 : i32
    %dma_start3A_21 = tpu.memref_slice %arg3[%dma_start3A_19, %dma_start3A_20] : memref<57344x128xf32, #tpu.memory_space<hbm>> -> memref<57344x128xf32, #tpu.memory_space<hbm>>
    tpu.enqueue_indirect_dma source(%dma_start3A_21 : memref<57344x128xf32, #tpu.memory_space<hbm>>) target(%dma_start3A_16 : memref<128x128xf32, #tpu.memory_space<vmem>>) offsets(%dma_start3A_18 : memref<128xi32, #tpu.memory_space<vmem>>) semaphore(%arg8 : memref<!tpu.dma_semaphore, #tpu.memory_space<semaphore_mem>>)
    %dma_start3A_22 = arith.constant 256 : i32
    %dma_start3A_23 = arith.constant 0 : i32
    %dma_start3A_24 = tpu.memref_slice %arg7[%dma_start3A_22, %dma_start3A_23] : memref<512x128xf32, #tpu.memory_space<vmem>> -> memref<128x128xf32, #tpu.memory_space<vmem>>
    %dma_start3A_25 = arith.constant 256 : i32
    %dma_start3A_26 = tpu.memref_slice %arg6[%dma_start3A_25] : memref<512xi32, #tpu.memory_space<vmem>> -> memref<128xi32, #tpu.memory_space<vmem>>
    %dma_start3A_27 = arith.constant 0 : i32
    %dma_start3A_28 = arith.constant 0 : i32
    %dma_start3A_29 = tpu.memref_slice %arg3[%dma_start3A_27, %dma_start3A_28] : memref<57344x128xf32, #tpu.memory_space<hbm>> -> memref<57344x128xf32, #tpu.memory_space<hbm>>
    tpu.enqueue_indirect_dma source(%dma_start3A_29 : memref<57344x128xf32, #tpu.memory_space<hbm>>) target(%dma_start3A_24 : memref<128x128xf32, #tpu.memory_space<vmem>>) offsets(%dma_start3A_26 : memref<128xi32, #tpu.memory_space<vmem>>) semaphore(%arg8 : memref<!tpu.dma_semaphore, #tpu.memory_space<semaphore_mem>>)
    %dma_start3A_30 = arith.constant 384 : i32
    %dma_start3A_31 = arith.constant 0 : i32
    %dma_start3A_32 = tpu.memref_slice %arg7[%dma_start3A_30, %dma_start3A_31] : memref<512x128xf32, #tpu.memory_space<vmem>> -> memref<128x128xf32, #tpu.memory_space<vmem>>
    %dma_start3A_33 = arith.constant 384 : i32
    %dma_start3A_34 = tpu.memref_slice %arg6[%dma_start3A_33] : memref<512xi32, #tpu.memory_space<vmem>> -> memref<128xi32, #tpu.memory_space<vmem>>
    %dma_start3A_35 = arith.constant 0 : i32
    %dma_start3A_36 = arith.constant 0 : i32
    %dma_start3A_37 = tpu.memref_slice %arg3[%dma_start3A_35, %dma_start3A_36] : memref<57344x128xf32, #tpu.memory_space<hbm>> -> memref<57344x128xf32, #tpu.memory_space<hbm>>
    tpu.enqueue_indirect_dma source(%dma_start3A_37 : memref<57344x128xf32, #tpu.memory_space<hbm>>) target(%dma_start3A_32 : memref<128x128xf32, #tpu.memory_space<vmem>>) offsets(%dma_start3A_34 : memref<128xi32, #tpu.memory_space<vmem>>) semaphore(%arg8 : memref<!tpu.dma_semaphore, #tpu.memory_space<semaphore_mem>>)
    %dma_wait3A = arith.constant 0 : i32
    %dma_wait3A_38 = arith.constant 0 : i32
    %dma_wait3A_39 = tpu.memref_slice %arg7[%dma_wait3A, %dma_wait3A_38] : memref<512x128xf32, #tpu.memory_space<vmem>> -> memref<128x128xf32, #tpu.memory_space<vmem>>
    %dma_wait3A_40 = arith.constant 0 : i32
    %dma_wait3A_41 = tpu.memref_slice %arg6[%dma_wait3A_40] : memref<512xi32, #tpu.memory_space<vmem>> -> memref<128xi32, #tpu.memory_space<vmem>>
    %dma_wait3A_42 = arith.constant 0 : i32
    %dma_wait3A_43 = arith.constant 0 : i32
    %dma_wait3A_44 = tpu.memref_slice %arg3[%dma_wait3A_42, %dma_wait3A_43] : memref<57344x128xf32, #tpu.memory_space<hbm>> -> memref<57344x128xf32, #tpu.memory_space<hbm>>
    tpu.wait_indirect_dma semaphore(%arg8 : memref<!tpu.dma_semaphore, #tpu.memory_space<semaphore_mem>>) src(%dma_wait3A_44 : memref<57344x128xf32, #tpu.memory_space<hbm>>) dst(%dma_wait3A_39 : memref<128x128xf32, #tpu.memory_space<vmem>>)
    %dma_wait3A_45 = arith.constant 128 : i32
    %dma_wait3A_46 = arith.constant 0 : i32
    %dma_wait3A_47 = tpu.memref_slice %arg7[%dma_wait3A_45, %dma_wait3A_46] : memref<512x128xf32, #tpu.memory_space<vmem>> -> memref<128x128xf32, #tpu.memory_space<vmem>>
    %dma_wait3A_48 = arith.constant 128 : i32
    %dma_wait3A_49 = tpu.memref_slice %arg6[%dma_wait3A_48] : memref<512xi32, #tpu.memory_space<vmem>> -> memref<128xi32, #tpu.memory_space<vmem>>
    %dma_wait3A_50 = arith.constant 0 : i32
    %dma_wait3A_51 = arith.constant 0 : i32
    %dma_wait3A_52 = tpu.memref_slice %arg3[%dma_wait3A_50, %dma_wait3A_51] : memref<57344x128xf32, #tpu.memory_space<hbm>> -> memref<57344x128xf32, #tpu.memory_space<hbm>>
    tpu.wait_indirect_dma semaphore(%arg8 : memref<!tpu.dma_semaphore, #tpu.memory_space<semaphore_mem>>) src(%dma_wait3A_52 : memref<57344x128xf32, #tpu.memory_space<hbm>>) dst(%dma_wait3A_47 : memref<128x128xf32, #tpu.memory_space<vmem>>)
    %dma_wait3A_53 = arith.constant 256 : i32
    %dma_wait3A_54 = arith.constant 0 : i32
    %dma_wait3A_55 = tpu.memref_slice %arg7[%dma_wait3A_53, %dma_wait3A_54] : memref<512x128xf32, #tpu.memory_space<vmem>> -> memref<128x128xf32, #tpu.memory_space<vmem>>
    %dma_wait3A_56 = arith.constant 256 : i32
    %dma_wait3A_57 = tpu.memref_slice %arg6[%dma_wait3A_56] : memref<512xi32, #tpu.memory_space<vmem>> -> memref<128xi32, #tpu.memory_space<vmem>>
    %dma_wait3A_58 = arith.constant 0 : i32
    %dma_wait3A_59 = arith.constant 0 : i32
    %dma_wait3A_60 = tpu.memref_slice %arg3[%dma_wait3A_58, %dma_wait3A_59] : memref<57344x128xf32, #tpu.memory_space<hbm>> -> memref<57344x128xf32, #tpu.memory_space<hbm>>
    tpu.wait_indirect_dma semaphore(%arg8 : memref<!tpu.dma_semaphore, #tpu.memory_space<semaphore_mem>>) src(%dma_wait3A_60 : memref<57344x128xf32, #tpu.memory_space<hbm>>) dst(%dma_wait3A_55 : memref<128x128xf32, #tpu.memory_space<vmem>>)
    %dma_wait3A_61 = arith.constant 384 : i32
    %dma_wait3A_62 = arith.constant 0 : i32
    %dma_wait3A_63 = tpu.memref_slice %arg7[%dma_wait3A_61, %dma_wait3A_62] : memref<512x128xf32, #tpu.memory_space<vmem>> -> memref<128x128xf32, #tpu.memory_space<vmem>>
    %dma_wait3A_64 = arith.constant 384 : i32
    %dma_wait3A_65 = tpu.memref_slice %arg6[%dma_wait3A_64] : memref<512xi32, #tpu.memory_space<vmem>> -> memref<128xi32, #tpu.memory_space<vmem>>
    %dma_wait3A_66 = arith.constant 0 : i32
    %dma_wait3A_67 = arith.constant 0 : i32
    %dma_wait3A_68 = tpu.memref_slice %arg3[%dma_wait3A_66, %dma_wait3A_67] : memref<57344x128xf32, #tpu.memory_space<hbm>> -> memref<57344x128xf32, #tpu.memory_space<hbm>>
    tpu.wait_indirect_dma semaphore(%arg8 : memref<!tpu.dma_semaphore, #tpu.memory_space<semaphore_mem>>) src(%dma_wait3A_68 : memref<57344x128xf32, #tpu.memory_space<hbm>>) dst(%dma_wait3A_63 : memref<128x128xf32, #tpu.memory_space<vmem>>)
    "tpu.region"() ({
      %run_scoped3A = tpu.sem_alloc : memref<!tpu.dma_semaphore, #tpu.memory_space<semaphore_mem>>
      %dma_start3A_69 = arith.constant 0 : i32
      %dma_start3A_70 = tpu.memref_slice %arg4[%mul3A_2, %dma_start3A_69] : memref<16384x128xf32, #tpu.memory_space<hbm>> -> memref<512x128xf32, #tpu.memory_space<hbm>>
      %dma_start3A_71 = arith.constant 0 : i32
      %dma_start3A_72 = tpu.memref_slice %arg4[%mul3A_2, %dma_start3A_71] : memref<16384x128xf32, #tpu.memory_space<hbm>> -> memref<512x128xf32, #tpu.memory_space<hbm>>
      tpu.enqueue_dma source(%arg7 : memref<512x128xf32, #tpu.memory_space<vmem>>) target(%dma_start3A_72 : memref<512x128xf32, #tpu.memory_space<hbm>>) target_semaphore(%run_scoped3A : memref<!tpu.dma_semaphore, #tpu.memory_space<semaphore_mem>>)
      %dma_wait3A_73 = arith.constant 0 : i32
      %dma_wait3A_74 = tpu.memref_slice %arg4[%mul3A_2, %dma_wait3A_73] : memref<16384x128xf32, #tpu.memory_space<hbm>> -> memref<512x128xf32, #tpu.memory_space<hbm>>
      %dma_wait3A_75 = arith.constant 0 : i32
      %dma_wait3A_76 = tpu.memref_slice %arg4[%mul3A_2, %dma_wait3A_75] : memref<16384x128xf32, #tpu.memory_space<hbm>> -> memref<512x128xf32, #tpu.memory_space<hbm>>
      tpu.wait_dma2 semaphore(%run_scoped3A : memref<!tpu.dma_semaphore, #tpu.memory_space<semaphore_mem>>) src(%arg7 : memref<512x128xf32, #tpu.memory_space<vmem>>) dst(%dma_wait3A_76 : memref<512x128xf32, #tpu.memory_space<hbm>>)
      tpu.yield
    }) : () -> ()
    return
  }
}

module attributes {stable_mosaic.version = 14 : i64} {
  func.func @_relayout_body(%arg0: i32, %arg1: memref<64x16384xf32, #tpu.memory_space<vmem>>, %arg2: memref<8192x128xf32, #tpu.memory_space<vmem>>) attributes {dimension_semantics = [#tpu.dimension_semantics<arbitrary>], iteration_bounds = array<i64: 7>, scalar_prefetch = 0 : i64, scratch_operands = 0 : i64, tpu.core_type = #tpu.core_type<tc>, window_params = [{transform_indices = @transform_0, window_bounds = array<i64: 64, 16384>}, {transform_indices = @transform_1, window_bounds = array<i64: 8192, 128>}]} {
    %get3A = arith.constant 0 : index
    %get3A_0 = arith.constant 0 : index
    %get3A_1 = vector.load %arg1[%get3A, %get3A_0] : memref<64x16384xf32, #tpu.memory_space<vmem>>, vector<64x16384xf32>
    %slice3A = vector.extract_strided_slice %get3A_1 {offsets = [0, 0], sizes = [64, 8192], strides = [1, 1]} : vector<64x16384xf32> to vector<64x8192xf32>
    %transpose3A = tpu.transpose %slice3A, [1, 0] : vector<64x8192xf32> -> vector<8192x64xf32>
    %slice3A_2 = vector.extract_strided_slice %get3A_1 {offsets = [0, 8192], sizes = [64, 8192], strides = [1, 1]} : vector<64x16384xf32> to vector<64x8192xf32>
    %transpose3A_3 = tpu.transpose %slice3A_2, [1, 0] : vector<64x8192xf32> -> vector<8192x64xf32>
    %concatenate3A = tpu.concatenate %transpose3A, %transpose3A_3 in 1 : vector<8192x64xf32>, vector<8192x64xf32> -> vector<8192x128xf32>
    %swap3A = arith.constant 0 : index
    %swap3A_4 = arith.constant 0 : index
    %swap3A_5 = vector.load %arg2[%swap3A, %swap3A_4] : memref<8192x128xf32, #tpu.memory_space<vmem>>, vector<8192x128xf32>
    tpu.vector_store %arg2[%swap3A, %swap3A_4], %concatenate3A {strides = array<i32>} : memref<8192x128xf32, #tpu.memory_space<vmem>>, vector<8192x128xf32>,
    return
  }
  func.func @transform_0(%arg0: i32) -> (i32, i32) {
    %c0_i32 = arith.constant 0 : i32
    %c0_i32_0 = arith.constant 0 : i32
    return %c0_i32, %arg0 : i32, i32
  }
  func.func @transform_1(%arg0: i32) -> (i32, i32) {
    %c0_i32 = arith.constant 0 : i32
    %c0_i32_0 = arith.constant 0 : i32
    return %arg0, %c0_i32 : i32, i32
  }
}

module attributes {stable_mosaic.version = 14 : i64} {
  func.func @_relayout_body(%arg0: i32, %arg1: memref<64x16384xf32, #tpu.memory_space<vmem>>, %arg2: memref<8192x128xf32, #tpu.memory_space<vmem>>) attributes {dimension_semantics = [#tpu.dimension_semantics<arbitrary>], iteration_bounds = array<i64: 62>, scalar_prefetch = 0 : i64, scratch_operands = 0 : i64, tpu.core_type = #tpu.core_type<tc>, window_params = [{transform_indices = @transform_0, window_bounds = array<i64: 64, 16384>}, {transform_indices = @transform_1, window_bounds = array<i64: 8192, 128>}]} {
    %get3A = arith.constant 0 : index
    %get3A_0 = arith.constant 0 : index
    %get3A_1 = vector.load %arg1[%get3A, %get3A_0] : memref<64x16384xf32, #tpu.memory_space<vmem>>, vector<64x16384xf32>
    %slice3A = vector.extract_strided_slice %get3A_1 {offsets = [0, 0], sizes = [64, 8192], strides = [1, 1]} : vector<64x16384xf32> to vector<64x8192xf32>
    %transpose3A = tpu.transpose %slice3A, [1, 0] : vector<64x8192xf32> -> vector<8192x64xf32>
    %slice3A_2 = vector.extract_strided_slice %get3A_1 {offsets = [0, 8192], sizes = [64, 8192], strides = [1, 1]} : vector<64x16384xf32> to vector<64x8192xf32>
    %transpose3A_3 = tpu.transpose %slice3A_2, [1, 0] : vector<64x8192xf32> -> vector<8192x64xf32>
    %concatenate3A = tpu.concatenate %transpose3A, %transpose3A_3 in 1 : vector<8192x64xf32>, vector<8192x64xf32> -> vector<8192x128xf32>
    %swap3A = arith.constant 0 : index
    %swap3A_4 = arith.constant 0 : index
    %swap3A_5 = vector.load %arg2[%swap3A, %swap3A_4] : memref<8192x128xf32, #tpu.memory_space<vmem>>, vector<8192x128xf32>
    tpu.vector_store %arg2[%swap3A, %swap3A_4], %concatenate3A {strides = array<i32>} : memref<8192x128xf32, #tpu.memory_space<vmem>>, vector<8192x128xf32>,
    return
  }
  func.func @transform_0(%arg0: i32) -> (i32, i32) {
    %c0_i32 = arith.constant 0 : i32
    %c0_i32_0 = arith.constant 0 : i32
    return %c0_i32, %arg0 : i32, i32
  }
  func.func @transform_1(%arg0: i32) -> (i32, i32) {
    %c0_i32 = arith.constant 0 : i32
    %c0_i32_0 = arith.constant 0 : i32
    return %arg0, %c0_i32 : i32, i32
  }
}

module attributes {stable_mosaic.version = 14 : i64} {
  func.func @_mlp_body(%arg0: i32, %arg1: memref<2048x128xf32, #tpu.memory_space<vmem>>, %arg2: memref<2048x128xf32, #tpu.memory_space<vmem>>, %arg3: memref<2048x2xi32, #tpu.memory_space<vmem>>, %arg4: memref<64x256xf32, #tpu.memory_space<vmem>>, %arg5: memref<64x256xf32, #tpu.memory_space<vmem>>, %arg6: memref<1x256xf32, #tpu.memory_space<vmem>>, %arg7: memref<2048x256xf32, #tpu.memory_space<vmem>>) attributes {dimension_semantics = [#tpu.dimension_semantics<arbitrary>], iteration_bounds = array<i64: 8>, scalar_prefetch = 0 : i64, scratch_operands = 0 : i64, tpu.core_type = #tpu.core_type<tc>, window_params = [{transform_indices = @transform_0, window_bounds = array<i64: 2048, 128>}, {transform_indices = @transform_1, window_bounds = array<i64: 2048, 128>}, {transform_indices = @transform_2, window_bounds = array<i64: 2048, 2>}, {pipeline_mode = #tpu.pipeline_mode<synchronous>, transform_indices = @transform_3, window_bounds = array<i64: 64, 256>}, {pipeline_mode = #tpu.pipeline_mode<synchronous>, transform_indices = @transform_4, window_bounds = array<i64: 64, 256>}, {pipeline_mode = #tpu.pipeline_mode<synchronous>, transform_indices = @transform_5, window_bounds = array<i64: 1, 256>}, {transform_indices = @transform_6, window_bounds = array<i64: 2048, 256>}]} {
    %get3A = arith.constant 0 : index
    %get3A_0 = arith.constant 0 : index
    %get3A_1 = vector.load %arg1[%get3A, %get3A_0] : memref<2048x128xf32, #tpu.memory_space<vmem>>, vector<2048x128xf32>
    %get3A_2 = arith.constant 0 : index
    %get3A_3 = arith.constant 0 : index
    %get3A_4 = vector.load %arg2[%get3A_2, %get3A_3] : memref<2048x128xf32, #tpu.memory_space<vmem>>, vector<2048x128xf32>
    %get3A_5 = arith.constant 0 : index
    %get3A_6 = arith.constant 0 : index
    %get3A_7 = vector.load %arg3[%get3A_5, %get3A_6] : memref<2048x2xi32, #tpu.memory_space<vmem>>, vector<2048x1xi32>
    %get3A_8 = arith.constant 0 : index
    %get3A_9 = arith.constant 1 : index
    %get3A_10 = vector.load %arg3[%get3A_8, %get3A_9] : memref<2048x2xi32, #tpu.memory_space<vmem>>, vector<2048x1xi32>
    %shift_right_logical3A = arith.constant 13 : i32
    %shift_right_logical3A_11 = vector.broadcast %shift_right_logical3A : i32 to vector<2048x1xi32>
    %shift_right_logical3A_12 = arith.shrui %get3A_7, %shift_right_logical3A_11 : vector<2048x1xi32>
    %and3A = arith.constant 1 : i32
    %and3A_13 = vector.broadcast %and3A : i32 to vector<2048x1xi32>
    %and3A_14 = arith.andi %shift_right_logical3A_12, %and3A_13 : vector<2048x1xi32>
    %eq3A = arith.constant 1 : i32
    %eq3A_15 = vector.broadcast %eq3A : i32 to vector<2048x1xi32>
    %eq3A_16 = arith.cmpi eq, %and3A_14, %eq3A_15 : vector<2048x1xi32>
    %shift_right_logical3A_17 = arith.constant 13 : i32
    %shift_right_logical3A_18 = vector.broadcast %shift_right_logical3A_17 : i32 to vector<2048x1xi32>
    %shift_right_logical3A_19 = arith.shrui %get3A_10, %shift_right_logical3A_18 : vector<2048x1xi32>
    %and3A_20 = arith.constant 1 : i32
    %and3A_21 = vector.broadcast %and3A_20 : i32 to vector<2048x1xi32>
    %and3A_22 = arith.andi %shift_right_logical3A_19, %and3A_21 : vector<2048x1xi32>
    %eq3A_23 = arith.constant 1 : i32
    %eq3A_24 = vector.broadcast %eq3A_23 : i32 to vector<2048x1xi32>
    %eq3A_25 = arith.cmpi eq, %and3A_22, %eq3A_24 : vector<2048x1xi32>
    %slice3A = vector.extract_strided_slice %get3A_1 {offsets = [0, 64], sizes = [2048, 64], strides = [1, 1]} : vector<2048x128xf32> to vector<2048x64xf32>
    %slice3A_26 = vector.extract_strided_slice %get3A_1 {offsets = [0, 0], sizes = [2048, 64], strides = [1, 1]} : vector<2048x128xf32> to vector<2048x64xf32>
    %broadcast_in_dim3A = vector.shape_cast %eq3A_16 : vector<2048x1xi1> to vector<2048x1xi1>
    %broadcast_in_dim3A_27 = vector.broadcast %broadcast_in_dim3A : vector<2048x1xi1> to vector<2048x64xi1>
    %select_n3A = arith.select %broadcast_in_dim3A_27, %slice3A, %slice3A_26 : vector<2048x64xi1>, vector<2048x64xf32>
    %slice3A_28 = vector.extract_strided_slice %get3A_4 {offsets = [0, 64], sizes = [2048, 64], strides = [1, 1]} : vector<2048x128xf32> to vector<2048x64xf32>
    %slice3A_29 = vector.extract_strided_slice %get3A_4 {offsets = [0, 0], sizes = [2048, 64], strides = [1, 1]} : vector<2048x128xf32> to vector<2048x64xf32>
    %broadcast_in_dim3A_30 = vector.shape_cast %eq3A_25 : vector<2048x1xi1> to vector<2048x1xi1>
    %broadcast_in_dim3A_31 = vector.broadcast %broadcast_in_dim3A_30 : vector<2048x1xi1> to vector<2048x64xi1>
    %select_n3A_32 = arith.select %broadcast_in_dim3A_31, %slice3A_28, %slice3A_29 : vector<2048x64xi1>, vector<2048x64xf32>
    %get3A_33 = arith.constant 0 : index
    %get3A_34 = arith.constant 0 : index
    %get3A_35 = vector.load %arg4[%get3A_33, %get3A_34] : memref<64x256xf32, #tpu.memory_space<vmem>>, vector<64x256xf32>
    %dot_general3A = arith.constant dense<0.000000e+00> : vector<2048x256xf32>
    %dot_general3A_36 = tpu.matmul %select_n3A, %get3A_35, %dot_general3A {dimension_numbers = #tpu.dot_dimension_numbers<[1], [0], [0], [1], [0, 0, 1, 1], [], []>, transpose_lhs_hint = false} : vector<2048x64xf32>, vector<64x256xf32>, vector<2048x256xf32> -> vector<2048x256xf32>
    %get3A_37 = arith.constant 0 : index
    %get3A_38 = arith.constant 0 : index
    %get3A_39 = vector.load %arg5[%get3A_37, %get3A_38] : memref<64x256xf32, #tpu.memory_space<vmem>>, vector<64x256xf32>
    %dot_general3A_40 = arith.constant dense<0.000000e+00> : vector<2048x256xf32>
    %dot_general3A_41 = tpu.matmul %select_n3A_32, %get3A_39, %dot_general3A_40 {dimension_numbers = #tpu.dot_dimension_numbers<[1], [0], [0], [1], [0, 0, 1, 1], [], []>, transpose_lhs_hint = false} : vector<2048x64xf32>, vector<64x256xf32>, vector<2048x256xf32> -> vector<2048x256xf32>
    %add3A = arith.addf %dot_general3A_36, %dot_general3A_41 : vector<2048x256xf32>
    %get3A_42 = arith.constant 0 : index
    %get3A_43 = arith.constant 0 : index
    %get3A_44 = vector.load %arg6[%get3A_42, %get3A_43] : memref<1x256xf32, #tpu.memory_space<vmem>>, vector<1x256xf32>
    %add3A_45 = vector.broadcast %get3A_44 : vector<1x256xf32> to vector<2048x256xf32>
    %add3A_46 = arith.addf %add3A, %add3A_45 : vector<2048x256xf32>
    %max3A = arith.constant 0.000000e+00 : f32
    %max3A_47 = vector.broadcast %max3A : f32 to vector<2048x256xf32>
    %max3A_48 = arith.maximumf %add3A_46, %max3A_47 : vector<2048x256xf32>
    %swap3A = arith.constant 0 : index
    %swap3A_49 = arith.constant 0 : index
    %swap3A_50 = vector.load %arg7[%swap3A, %swap3A_49] : memref<2048x256xf32, #tpu.memory_space<vmem>>, vector<2048x256xf32>
    tpu.vector_store %arg7[%swap3A, %swap3A_49], %max3A_48 {strides = array<i32>} : memref<2048x256xf32, #tpu.memory_space<vmem>>, vector<2048x256xf32>,
    return
  }
  func.func @transform_0(%arg0: i32) -> (i32, i32) {
    %c0_i32 = arith.constant 0 : i32
    %c0_i32_0 = arith.constant 0 : i32
    return %arg0, %c0_i32 : i32, i32
  }
  func.func @transform_1(%arg0: i32) -> (i32, i32) {
    %c0_i32 = arith.constant 0 : i32
    %c0_i32_0 = arith.constant 0 : i32
    return %arg0, %c0_i32 : i32, i32
  }
  func.func @transform_2(%arg0: i32) -> (i32, i32) {
    %c0_i32 = arith.constant 0 : i32
    %c0_i32_0 = arith.constant 0 : i32
    return %arg0, %c0_i32 : i32, i32
  }
  func.func @transform_3(%arg0: i32) -> (i32, i32) {
    %c0_i32 = arith.constant 0 : i32
    %c0_i32_0 = arith.constant 0 : i32
    %c0_i32_1 = arith.constant 0 : i32
    return %c0_i32, %c0_i32_0 : i32, i32
  }
  func.func @transform_4(%arg0: i32) -> (i32, i32) {
    %c0_i32 = arith.constant 0 : i32
    %c0_i32_0 = arith.constant 0 : i32
    %c0_i32_1 = arith.constant 0 : i32
    return %c0_i32, %c0_i32_0 : i32, i32
  }
  func.func @transform_5(%arg0: i32) -> (i32, i32) {
    %c0_i32 = arith.constant 0 : i32
    %c0_i32_0 = arith.constant 0 : i32
    %c0_i32_1 = arith.constant 0 : i32
    return %c0_i32, %c0_i32_0 : i32, i32
  }
  func.func @transform_6(%arg0: i32) -> (i32, i32) {
    %c0_i32 = arith.constant 0 : i32
    %c0_i32_0 = arith.constant 0 : i32
    return %arg0, %c0_i32 : i32, i32
  }
}

</mosaic_0001>

<sc_bundles>
// kernel: kernel.10.cloned.1.call-start
scs
__scs_entry_jumppad:
0x0: {  	(pc) =	sbr.rel $0x88, $3  }
0x1: {  	(tag) =	ssettag $0x0;
	lr =	simm.s32 $0x1  }
0x2: {  	[smem:$0x3F9B] =	sst lr;
	_ =	strace $0xD0000000  }
0x3: {  	_ = 	snop  }
0x4: {  	_ = 	snop  }
0x5: {  	_ = 	snop  }
0x6: {  	_ = 	snop  }
0x7: {  	_ = 	snop  }
__scs_overlays_trampoline_lowered:
0x8: {  	[smem:$0x3FAA] =	sst s0  }
0x9: {  	[smem:$0x3FAB] =	sst s1  }
0xa: {  	[smem:$0x3FAC] =	sst s2  }
0xb: {  	[smem:$0x3FAD] =	sst s3  }
0xc: {  	[smem:$0x3FAE] =	sst s4  }
0xd: {  	[smem:$0x3FAF] =	sst s5  }
0xe: {  	[smem:$0x3FB0] =	sst s6  }
0xf: {  	[smem:$0x3FB1] =	sst s7  }
0x10: {  	[smem:$0x3FB2] =	sst s8  }
0x11: {  	[smem:$0x3FB3] =	sst s9;
	s0 =	simm.s32 @!p0 $0x0  }
0x12: {  	s1 =	sld [smem:$0x3F99];
	s0 =	simm.s32 @p0 $0x1  }
0x13: {  	[smem:$0x3FB4] =	sst s0;
	s0 =	simm.s32 @!p1 $0x0  }
0x14: {  	s2 =	sld [smem:$0x3F98];
	s0 =	simm.s32 @p1 $0x1  }
0x15: {  	[smem:$0x3FB5] =	sst s0;
	s0 =	simm.s32 @!p2 $0x0  }
0x16: {  	s3 =	sld [smem:$0x3FDB];
	s0 =	simm.s32 @p2 $0x1  }
0x17: {  	s4 =	simm.s32 $0x1BF5;
	[smem:$0x3FB7] =	sst s0  }
0x18: {  	s0 =	sld [smem:$0x3F9A];
	_ =	swait.ge [sflag:s4], $0x0  }
0x19: {  	s7 =	sld [smem:$0x3F9B]  }
0x1a: {  	s8 =	sadd.s32 $0xFFFFE003, lr  }
0x1b: {  	s9 =	sadd.s32 $0xFFFFFEF7, lr;
	s5 =	simm.s32 $0xFFFFFFFF;
	p2 =	slt.u32 s8, $0xFFFFF086  }
0x1c: {  	p1 =	slt.u32 s9, $0xF7A;
	s5 =	simm.s32 @!p2 $0x0  }
0x1d: {  	s5 =	simm.s32 @p1 $0x1;
	p0 =	seq.s32 s7, s2  }
0x1e: {  	s7 =	smul.u32 @!p0 $0xF7A, s2;
	p2 =	seq.s32 @!p0 s5, $0x0  }
0x1f: {  	s9 =	smul.u32 $0xF7A, s1;
	s8 =	simm.s32 @!p0 $0x1BF5;
	p2 =	por !p2, p0  }
0x20: {  	[sflag:s8] =	ssyncset.s32 @!p0 $0xFFFFF086;
	s6 =	sadd.s32 @!p0 s3, s7;
	s7 =	simm.s32 @!p0 $0x108  }
0x21: {  	s3 =	sadd.s32 s3, s9;
	s6 =	sadd.s32 @!p0 $0x88, s6;
	s7 =	simm.s32 @p2 $0x1082  }
0x22: {  	[simem:s7], [sflag:s8] =	dma.local @!p0 [hbm:s6], $0xF7A  }
0x23: {  	s9 =	sor.u32 $0xD0000000, s2;
	s6 =	simm.s32 $0x108;
	_ =	swait.ge @!p0 [sflag:s8], $0x0  }
0x24: {  	s3 =	sadd.s32 $0x88, s3;
	s6 =	simm.s32 @!p1 $0x1082;
	[sflag:s4] =	ssyncset.s32 $0xFFFFF086  }
0x25: {  	[simem:s6], [sflag:s4] =	dma.local [hbm:s3], $0xF7A  }
0x26: {  	[smem:$0x3F9B] =	sst s1;
	(tag) =	ssettag s2;
	_ =	strace s9  }
0x27: {  	s1 =	sld [smem:$0x3FAB]  }
0x28: {  	s2 =	sld [smem:$0x3FAC]  }
0x29: {  	s4 =	sld [smem:$0x3FAE]  }
0x2a: {  	p0 =	seq.s32 s5, $0x0;
	s5 =	sld [smem:$0x3FAF]  }
0x2b: {  	s6 =	sld [smem:$0x3FB0]  }
0x2c: {  	s7 =	sld [smem:$0x3FB1]  }
0x2d: {  	s3 =	simm.s32 $0x108;
	s8 =	sld [smem:$0x3FB2]  }
0x2e: {  	s3 =	simm.s32 @!p0 $0x1082;
	s9 =	sld [smem:$0x3FB3]  }
0x2f: {  	lr =	sadd.s32 s0, s3;
	s0 =	sld [smem:$0x3FAA]  }
0x30: {  	s3 =	sld [smem:$0x3FAD]  }
0x31: {  	[smem:$0x3FB6] =	sst s10  }
0x32: {  	s10 =	sld [smem:$0x3FB4];
	_ =	sdelay $0x3  }
0x33: {  	p0 =	seq.s32 s10, $0x1;
	s10 =	sld [smem:$0x3FB6];
	_ =	sdelay $0x3  }
0x34: {  	[smem:$0x3FB6] =	sst s10  }
0x35: {  	s10 =	sld [smem:$0x3FB5];
	_ =	sdelay $0x3  }
0x36: {  	p1 =	seq.s32 s10, $0x1;
	s10 =	sld [smem:$0x3FB6];
	_ =	sdelay $0x3  }
0x37: {  	[smem:$0x3FB6] =	sst s10  }
0x38: {  	s10 =	sld [smem:$0x3FB7]  }
0x39: {  	_ = 	snop;
	(pc) =	sbr.ind lr, $3  }
0x3a: {  	_ = 	snop  }
0x3b: {  	_ = 	snop  }
0x3c: {  	p2 =	seq.s32 s10, $0x1;
	s10 =	sld [smem:$0x3FB6]  }
0x3d: {  	_ =	shalt  }
0x3e: {  	_ =	shalt  }
0x3f: {  	_ =	shalt  }
0x40: {  	_ =	shalt  }
0x41: {  	_ =	shalt  }
0x42: {  	_ =	shalt  }
0x43: {  	_ =	shalt  }
0x44: {  	_ =	shalt  }
0x45: {  	_ =	shalt  }
0x46: {  	_ =	shalt  }
0x47: {  	_ =	shalt  }
0x48: {  	_ =	shalt  }
0x49: {  	_ =	shalt  }
0x4a: {  	_ =	shalt  }
0x4b: {  	_ =	shalt  }
0x4c: {  	_ =	shalt  }
0x4d: {  	_ =	shalt  }
0x4e: {  	_ =	shalt  }
0x4f: {  	_ =	shalt  }
0x50: {  	_ =	shalt  }
0x51: {  	_ =	shalt  }
0x52: {  	_ =	shalt  }
0x53: {  	_ =	shalt  }
0x54: {  	_ =	shalt  }
0x55: {  	_ =	shalt  }
0x56: {  	_ =	shalt  }
0x57: {  	_ =	shalt  }
0x58: {  	_ =	shalt  }
0x59: {  	_ =	shalt  }
0x5a: {  	_ =	shalt  }
0x5b: {  	_ =	shalt  }
0x5c: {  	_ =	shalt  }
0x5d: {  	_ =	shalt  }
0x5e: {  	_ =	shalt  }
0x5f: {  	_ =	shalt  }
0x60: {  	_ =	shalt  }
0x61: {  	_ =	shalt  }
0x62: {  	_ =	shalt  }
0x63: {  	_ =	shalt  }
0x64: {  	_ =	shalt  }
0x65: {  	_ =	shalt  }
0x66: {  	_ =	shalt  }
0x67: {  	_ =	shalt  }
0x68: {  	_ =	shalt  }
0x69: {  	_ =	shalt  }
0x6a: {  	_ =	shalt  }
0x6b: {  	_ =	shalt  }
0x6c: {  	_ =	shalt  }
0x6d: {  	_ =	shalt  }
0x6e: {  	_ =	shalt  }
0x6f: {  	_ =	shalt  }
0x70: {  	_ =	shalt  }
0x71: {  	_ =	shalt  }
0x72: {  	_ =	shalt  }
0x73: {  	_ =	shalt  }
0x74: {  	_ =	shalt  }
0x75: {  	_ =	shalt  }
0x76: {  	_ =	shalt  }
0x77: {  	_ =	shalt  }
0x78: {  	_ =	shalt  }
0x79: {  	_ =	shalt  }
0x7a: {  	_ =	shalt  }
0x7b: {  	_ =	shalt  }
0x7c: {  	_ =	shalt  }
0x7d: {  	_ =	shalt  }
0x7e: {  	_ =	shalt  }
0x7f: {  	_ =	shalt  }
0x80: {  	_ =	shalt  }
0x81: {  	_ =	shalt  }
0x82: {  	_ =	shalt  }
0x83: {  	_ =	shalt  }
0x84: {  	_ =	shalt  }
0x85: {  	_ =	shalt  }
0x86: {  	_ =	shalt  }
0x87: {  	_ =	shalt  }
.Lfunc_end0:
.L_simem_size_0:
called_computation.1_lowered:
.L_overlay_start_0:
0x88: {  	s2 =	sld [smem:$0x3FD9]  }
0x89: {  	s3 =	sld [smem:$0x3FFE];
	_ =	sdelay $0x1  }
0x8a: {  	s1 =	srdreg.scid  }
0x8b: {  	s0 =	sand.u32 $0x1, s1  }
0x8c: {  	s17 =	sshll.u32 s0, $0xA;
	s2 =	sadd.s32 s3, s2  }
0x8d: {  	s2 =	sadd.s32 s2, s17  }
0x8e: {  	[smem:$0x3FC2] =	sst s2  }
0x8f: {  	_ = 	snop  }
0x90: {  	s2 =	sld [smem:$0x3FC9];
	(tm) =	ssettm $0x1  }
0x91: {  	s18 =	sld [smem:$0x3FFB];
	_ =	sdelay $0x3  }
0x92: {  	_ =	strace s18  }
0x93: {  	s3 =	sld [smem:$0x3FFC];
	_ =	sdelay $0x3  }
0x94: {  	_ =	strace s3  }
0x95: {  	s3 =	sld [smem:$0x3FFD];
	_ =	sdelay $0x3  }
0x96: {  	_ =	strace s3  }
0x97: {  	_ =	strace $0x8FFFFFFF  }
0x98: {  	s19 =	sld [smem:$0x3FDB];
	_ =	sdelay $0x1  }
0x99: {  	s4 =	simm.s32 $_scs_section_size  }
0x9a: {  	s5 =	simm.s32 $_size__tile_overlayer_lowered;
	s6 =	simm.s32 $_tile_overlayer_lowered  }
0x9b: {  	s22 =	simm.s32 $0x1BFF;
	s21 =	sshll.u32 s6, $0x1;
	s3 =	sadd.s32 s4, s19  }
0x9c: {  	s7 =	simm.s32 $0x0;
	s20 =	sshll.u32 s5, $0x1;
	s5 =	sadd.s32 s21, s3  }
0x9d: {  	[timem:s7], [sflag:s22] =	dma.local [hbm:s5], s20  }
0x9e: {  	_ =	swait.ge [sflag:s22], s20  }
0x9f: {  	s4 =	ssub.s32 $0x0, s20;
	[sflag:s22] =	ssyncset.done $0x0  }
0xa0: {  	[sflag:s22] =	ssyncadd.s32 s4;
	_ =	sdelay $0x1  }
0xa1: {  	s23 =	simm.s32 $0x1B8B  }
0xa2: {  	_ =	swait.ge [sflag:s23], $0x1  }
0xa3: {  	[sflag:s23] =	ssyncset.done $0x0  }
0xa4: {  	s25 =	simm.s32 $0x1B8E;
	s24 =	sld [smem:$0x3FFE];
	[sflag:s23] =	ssyncadd.s32 $0xFFFFFFFF  }
0xa5: {  	s26 =	simm.s32 $execute0_lowered;
	[smem:$0x3FD2] =	sst s25  }
0xa6: {  	s5 =	sshll.u32 s26, $0x1;
	_ =	strace $0x80000046;
	[dreg:$0x1] =	wrdreg $0xFFFFFFFF  }
0xa7: {  	s28 =	simm.s32 $_size_execute0_lowered;
	s3 =	sadd.s32 s3, s5;
	[dreg:$0x0] =	wrdreg $0x0  }
0xa8: {  	s5 =	sshll.u32 s28, $0x1;
	[dreg:$0x2] =	wrdreg s3  }
0xa9: {  	[dreg:$0x3] =	wrdreg s5  }
0xaa: {  	[dreg:$0x4] =	wrdreg $0xC0  }
0xab: {  	_ =	task [dreg:s7], $0x5FFFF  }
0xac: {  	[dreg:$0x1] =	wrdreg $0xFFFFFFFF  }
0xad: {  	[dreg:$0x0] =	wrdreg $0x60  }
0xae: {  	[dreg:$0x2] =	wrdreg s2  }
0xaf: {  	[dreg:$0x3] =	wrdreg s24  }
0xb0: {  	[dreg:$0x4] =	wrdreg $0xA  }
0xb1: {  	_ =	task.clear_ibuf [dreg:s7], $0x5FFFF;
	_ =	strace $0x90000046  }
0xb2: {  	s29 =	simm.s32 $0xA;
	_ =	strace $0x80000048  }
0xb3: {  	_ =	swait.ge [sflag:s29], $0x1  }
0xb4: {  	[sflag:s29] =	ssyncadd.s32 $0xFFFFFFFF  }
0xb5: {  	_ =	strace $0x90000048  }
0xb6: {  	_ =	sfence  }
0xb7: {  	s30 =	sld [smem:$0x0];
	_ =	sdelay $0x2  }
0xb8: {  	s31 =	sshll.u32 s1, $0xD;
	s1 =	sshrl.u32 s1, $0x2  }
0xb9: {  	s3 =	sand.u32 $0x4000, s31;
	s1 =	sadd.s32 s1, s30  }
0xba: {  	s0 =	sor.u32 s3, s0;
	s1 =	sshll.u32 s1, $0x11  }
0xbb: {  	s0 =	sor.u32 s1, s0  }
0xbc: {  	s0 =	sadd.s32 $0x8F2B, s0  }
0xbd: {  	[sflag:s0] =	ssyncadd.remote.s32 $0x1  }
0xbe: {  	_ =	sfence.sel $0xFFFF  }
0xbf: {  	[dreg:$0x0] =	wrdreg $0xFFFFFFFF;
	(pc) =	sbr.abs _section_cstart, $3  }
0xc0: {  	[dreg:$0x1] =	wrdreg $0xFFFFFFFF  }
0xc1: {  	_ =	task.clear_ibuf [dreg:s7], $0x2FFFF;
	_ =	strace $0x9FFFFFFF  }
0xc2: {  	(tm) =	ssettm $0x7FFFFFFF  }
0xc3: {  	_ =	shalt  }
tec
execute0_lowered:
.L_overlay_start_1:
0x0: {  	(tag) =	ssettag $0x1  }
0x1: {  	s4 =	rddreg [dreg:$0x0]  }
0x2: {  	s5 =	rddreg [dreg:$0x1]  }
0x3: {  	s0 =	rddreg [dreg:$0x2];
	s3 =	srdreg.scid  }
0x4: {  	s2 =	simm.s32 $0x0;
	s1 =	stileid.u32;
	s10 =	simm.s32 $0x400  }
0x5: {  	s11 =	simm.s32 $0x280;
	s12 =	simm.s32 $0x4400;
	s13 =	simm.s32 $0x300  }
0x6: {  	s14 =	simm.s32 $0x8400;
	s15 =	simm.s32 $0x380;
	s16 =	simm.s32 $0xC400  }
0x7: {  	s17 =	simm.s32 $0x1;
	s18 =	simm.s32 $0x0;
	s3 =	sand.u32 $0x1, s3  }
0x8: {  	[smem:$0x7FF] =	sst s2;
	s6 =	sshll.u32 s1, $0xA;
	s7 =	sshll.u32 s3, $0x9  }
0x9: {  	_ =	strace $0x80000047;
	s31 =	ssub.s32 $0x2, s3;
	s6 =	sor.u32 s7, s6  }
0xa: {  	s3 =	sadd.s32 $0x1600, s5;
	s9 =	sshrl.u32 s31, $0x1;
	s8 =	sshll.u32 s6, $0x4  }
0xb: {  	s7 =	ssub.s32 s31, s9;
	s6 =	sshrl.u32 s6, $0x3;
	s9 =	simm.s32 $0x200  }
0xc: {  	s5 =	sadd.s32 s8, s5;
	s4 =	sadd.s32 s4, s6;
	s6 =	smax.u32 s7, $0x1  }
0xd: {  	s7 =	simm.s32 $0x2;
	s8 =	simm.s32 $0x80;
	s5 =	sadd.s32 $0x7C1600, s5  }
.LBB2_1:
0xe: {  	[tilespmem:s2], [sflag:$0x2] =	stream.linear.gather [hbm4b:s4+s2], $0x200, $0x38;
	[tilespmem:$0x10400] =	vst v63  }
0xf: {  	_ =	swait.ge [sflag:s7], $0x200  }
0x10: {  	[sflag:s7] =	ssyncset.done $0x0  }
0x11: {  	s19 =	simm.s32 $0x0;
	[sflag:s7] =	ssyncadd.s32 $0xFFFFFE00  }
0x12: {  	s20 =	simm.s32 $0x40;
	v0 =	vld [tilespmem:s19+$0x0]  }
.LBB2_2:
0x13: {  	_ =	sdelay $0x1  }
0x14: {  	p0 =	sne.s32 s20, $0x7C0  }
.Ltmp0:
0x15: {  	_ = 	snop;
	(pc) =	sbr.rel @p0 .LBB2_2-.Ltmp0, $4  }
0x16: {  	v1 =	vshrl.u32 v0, $0x1  }
0x17: {  	v2 =	vand.u32 $0x1FFF, v0;
	v1 =	vand.u32 $0x7FFFE000, v1  }
0x18: {  	s21 =	sshra.s32 s20, $0x2;
	v1 =	vor.u32 v2, v1  }
0x19: {  	s20 =	sadd.s32 $0x40, s20;
	v0 =	vld [tilespmem:s21+$0x0];
	[tilespmem:s19+$0x200] =	vst v1;
	s19 =	smov.u32 s21  }
0x1a: {  	_ =	sdelay $0x3  }
0x1b: {  	v1 =	vshrl.u32 v0, $0x1  }
0x1c: {  	v63 =	vand.u32 $0x1FFF, v0;
	v1 =	vand.u32 $0x7FFFE000, v1  }
0x1d: {  	v0 =	vor.u32 v63, v1  }
0x1e: {  	[tilespmem:s19+$0x200] =	vst v0  }
0x1f: {  	[tilespmem:s10], [sflag:$0x1] =	stream.indirect.gather [hbm4b:s3+s8], $0x80, s9, s8, $0xb8;
	[tilespmem:$0x10400] =	vst v63  }
0x20: {  	_ = 	snop  }
0x21: {  	[tilespmem:s12], [sflag:$0x1] =	stream.indirect.gather [hbm4b:s3+s8], $0x80, s11, s8, $0xb8;
	[tilespmem:$0x10400] =	vst v63  }
0x22: {  	_ = 	snop  }
0x23: {  	[tilespmem:s14], [sflag:$0x1] =	stream.indirect.gather [hbm4b:s3+s8], $0x80, s13, s8, $0xb8;
	[tilespmem:$0x10400] =	vst v63  }
0x24: {  	_ = 	snop  }
0x25: {  	[tilespmem:s16], [sflag:$0x1] =	stream.indirect.gather [hbm4b:s3+s8], $0x80, s15, s8, $0xb8;
	[tilespmem:$0x10400] =	vst v63  }
0x26: {  	_ =	swait.ge [sflag:s17], $0x4000  }
0x27: {  	[sflag:s17] =	ssyncset.done $0x0  }
0x28: {  	[sflag:s17] =	ssyncadd.s32 $0xFFFFC000  }
0x29: {  	_ =	swait.ge [sflag:s17], $0x4000  }
0x2a: {  	[sflag:s17] =	ssyncset.done $0x0  }
0x2b: {  	[sflag:s17] =	ssyncadd.s32 $0xFFFFC000  }
0x2c: {  	_ =	swait.ge [sflag:s17], $0x4000  }
0x2d: {  	[sflag:s17] =	ssyncset.done $0x0  }
0x2e: {  	[sflag:s17] =	ssyncadd.s32 $0xFFFFC000  }
0x2f: {  	s18 =	sadd.s32 $0x1, s18;
	_ =	swait.ge [sflag:s17], $0x4000  }
0x30: {  	p0 =	sne.s32 s18, s6;
	[sflag:s17] =	ssyncset.done $0x0  }
.Ltmp1:
0x31: {  	[sflag:s17] =	ssyncadd.s32 $0xFFFFC000;
	(pc) =	sbr.rel @p0 .LBB2_1-.Ltmp1, $4  }
0x32: {  	[hbm4b:s5+s2] =	stream.linear.scatter [tilespmem:s10], [sflag:$0x2], $0x10000, $0x38;
	[tilespmem:$0x10400] =	vst v63  }
0x33: {  	_ =	swait.ge [sflag:s7], $0x10000  }
0x34: {  	[sflag:s7] =	ssyncset.done $0x0  }
0x35: {  	[sflag:s7] =	ssyncadd.s32 $0xFFFF0000  }
0x36: {  	_ =	sfence.sel $0x180000  }
0x37: {  	[bflag:$0x0] =	sbarrier.arrive $0xFFFF  }
0x38: {  	p0 =	sne.s32 s1, $0x0;
	_ =	strace $0x90000047  }
0x39: {  	s0 =	sadd.s32 @!p0 $0x100000, s0;
	[bflag:$0x2] =	sbarrier.arrive $0xFFFF  }
0x3a: {  	[sflag:s0] =	ssyncadd.tile.s32 @!p0 $0x1;
	_ =	shalt  }
.Lfunc_end2:
_tile_overlayer_lowered:
.L_overlay_start_2:
0x3b: {  	(tag) =	ssettag $0x2  }
0x3c: {  	s0 =	rddreg [dreg:$0x0];
	s2 =	stileid.u32  }
0x3d: {  	s1 =	rddreg [dreg:$0x1];
	p0 =	sne.s32 s2, $0x0  }
0x3e: {  	s3 =	rddreg [dreg:$0x2];
	[bflag:$0x3] =	sbarrier.arrive $0xFFFF;
	s2 =	simm.s32 @!p0 $0x1C02  }
0x3f: {  	[timem:s3], [sflag:s2] =	dma.local @!p0 [hbm:s0], s1  }
0x40: {  	s0 =	simm.s32 @!p0 $0x2  }
0x41: {  	_ =	swait.ge @!p0 [sflag:s0], s1  }
0x42: {  	s1 =	ssub.s32 @!p0 $0x0, s1;
	[sflag:s0] =	ssyncset.done @!p0 $0x0  }
0x43: {  	[sflag:s0] =	ssyncadd.s32 @!p0 s1  }
0x44: {  	[bflag:$0x3] =	sbarrier.arrive $0xFFFF  }
0x45: {  	_ =	shalt  }

// kernel: kernel.7.cloned.1.call-start
scs
__scs_entry_jumppad:
0x0: {  	(pc) =	sbr.rel $0x88, $3  }
0x1: {  	(tag) =	ssettag $0x0;
	lr =	simm.s32 $0x1  }
0x2: {  	[smem:$0x3F9B] =	sst lr;
	_ =	strace $0xD0000000  }
0x3: {  	_ = 	snop  }
0x4: {  	_ = 	snop  }
0x5: {  	_ = 	snop  }
0x6: {  	_ = 	snop  }
0x7: {  	_ = 	snop  }
__scs_overlays_trampoline_lowered:
0x8: {  	[smem:$0x3FAA] =	sst s0  }
0x9: {  	[smem:$0x3FAB] =	sst s1  }
0xa: {  	[smem:$0x3FAC] =	sst s2  }
0xb: {  	[smem:$0x3FAD] =	sst s3  }
0xc: {  	[smem:$0x3FAE] =	sst s4  }
0xd: {  	[smem:$0x3FAF] =	sst s5  }
0xe: {  	[smem:$0x3FB0] =	sst s6  }
0xf: {  	[smem:$0x3FB1] =	sst s7  }
0x10: {  	[smem:$0x3FB2] =	sst s8  }
0x11: {  	[smem:$0x3FB3] =	sst s9;
	s0 =	simm.s32 @!p0 $0x0  }
0x12: {  	s1 =	sld [smem:$0x3F99];
	s0 =	simm.s32 @p0 $0x1  }
0x13: {  	[smem:$0x3FB4] =	sst s0;
	s0 =	simm.s32 @!p1 $0x0  }
0x14: {  	s2 =	sld [smem:$0x3F98];
	s0 =	simm.s32 @p1 $0x1  }
0x15: {  	[smem:$0x3FB5] =	sst s0;
	s0 =	simm.s32 @!p2 $0x0  }
0x16: {  	s3 =	sld [smem:$0x3FDB];
	s0 =	simm.s32 @p2 $0x1  }
0x17: {  	s4 =	simm.s32 $0x1BF5;
	[smem:$0x3FB7] =	sst s0  }
0x18: {  	s0 =	sld [smem:$0x3F9A];
	_ =	swait.ge [sflag:s4], $0x0  }
0x19: {  	s7 =	sld [smem:$0x3F9B]  }
0x1a: {  	s8 =	sadd.s32 $0xFFFFE003, lr  }
0x1b: {  	s9 =	sadd.s32 $0xFFFFFEF7, lr;
	s5 =	simm.s32 $0xFFFFFFFF;
	p2 =	slt.u32 s8, $0xFFFFF086  }
0x1c: {  	p1 =	slt.u32 s9, $0xF7A;
	s5 =	simm.s32 @!p2 $0x0  }
0x1d: {  	s5 =	simm.s32 @p1 $0x1;
	p0 =	seq.s32 s7, s2  }
0x1e: {  	s7 =	smul.u32 @!p0 $0xF7A, s2;
	p2 =	seq.s32 @!p0 s5, $0x0  }
0x1f: {  	s9 =	smul.u32 $0xF7A, s1;
	s8 =	simm.s32 @!p0 $0x1BF5;
	p2 =	por !p2, p0  }
0x20: {  	[sflag:s8] =	ssyncset.s32 @!p0 $0xFFFFF086;
	s6 =	sadd.s32 @!p0 s3, s7;
	s7 =	simm.s32 @!p0 $0x108  }
0x21: {  	s3 =	sadd.s32 s3, s9;
	s6 =	sadd.s32 @!p0 $0x88, s6;
	s7 =	simm.s32 @p2 $0x1082  }
0x22: {  	[simem:s7], [sflag:s8] =	dma.local @!p0 [hbm:s6], $0xF7A  }
0x23: {  	s9 =	sor.u32 $0xD0000000, s2;
	s6 =	simm.s32 $0x108;
	_ =	swait.ge @!p0 [sflag:s8], $0x0  }
0x24: {  	s3 =	sadd.s32 $0x88, s3;
	s6 =	simm.s32 @!p1 $0x1082;
	[sflag:s4] =	ssyncset.s32 $0xFFFFF086  }
0x25: {  	[simem:s6], [sflag:s4] =	dma.local [hbm:s3], $0xF7A  }
0x26: {  	[smem:$0x3F9B] =	sst s1;
	(tag) =	ssettag s2;
	_ =	strace s9  }
0x27: {  	s1 =	sld [smem:$0x3FAB]  }
0x28: {  	s2 =	sld [smem:$0x3FAC]  }
0x29: {  	s4 =	sld [smem:$0x3FAE]  }
0x2a: {  	p0 =	seq.s32 s5, $0x0;
	s5 =	sld [smem:$0x3FAF]  }
0x2b: {  	s6 =	sld [smem:$0x3FB0]  }
0x2c: {  	s7 =	sld [smem:$0x3FB1]  }
0x2d: {  	s3 =	simm.s32 $0x108;
	s8 =	sld [smem:$0x3FB2]  }
0x2e: {  	s3 =	simm.s32 @!p0 $0x1082;
	s9 =	sld [smem:$0x3FB3]  }
0x2f: {  	lr =	sadd.s32 s0, s3;
	s0 =	sld [smem:$0x3FAA]  }
0x30: {  	s3 =	sld [smem:$0x3FAD]  }
0x31: {  	[smem:$0x3FB6] =	sst s10  }
0x32: {  	s10 =	sld [smem:$0x3FB4];
	_ =	sdelay $0x3  }
0x33: {  	p0 =	seq.s32 s10, $0x1;
	s10 =	sld [smem:$0x3FB6];
	_ =	sdelay $0x3  }
0x34: {  	[smem:$0x3FB6] =	sst s10  }
0x35: {  	s10 =	sld [smem:$0x3FB5];
	_ =	sdelay $0x3  }
0x36: {  	p1 =	seq.s32 s10, $0x1;
	s10 =	sld [smem:$0x3FB6];
	_ =	sdelay $0x3  }
0x37: {  	[smem:$0x3FB6] =	sst s10  }
0x38: {  	s10 =	sld [smem:$0x3FB7]  }
0x39: {  	_ = 	snop;
	(pc) =	sbr.ind lr, $3  }
0x3a: {  	_ = 	snop  }
0x3b: {  	_ = 	snop  }
0x3c: {  	p2 =	seq.s32 s10, $0x1;
	s10 =	sld [smem:$0x3FB6]  }
0x3d: {  	_ =	shalt  }
0x3e: {  	_ =	shalt  }
0x3f: {  	_ =	shalt  }
0x40: {  	_ =	shalt  }
0x41: {  	_ =	shalt  }
0x42: {  	_ =	shalt  }
0x43: {  	_ =	shalt  }
0x44: {  	_ =	shalt  }
0x45: {  	_ =	shalt  }
0x46: {  	_ =	shalt  }
0x47: {  	_ =	shalt  }
0x48: {  	_ =	shalt  }
0x49: {  	_ =	shalt  }
0x4a: {  	_ =	shalt  }
0x4b: {  	_ =	shalt  }
0x4c: {  	_ =	shalt  }
0x4d: {  	_ =	shalt  }
0x4e: {  	_ =	shalt  }
0x4f: {  	_ =	shalt  }
0x50: {  	_ =	shalt  }
0x51: {  	_ =	shalt  }
0x52: {  	_ =	shalt  }
0x53: {  	_ =	shalt  }
0x54: {  	_ =	shalt  }
0x55: {  	_ =	shalt  }
0x56: {  	_ =	shalt  }
0x57: {  	_ =	shalt  }
0x58: {  	_ =	shalt  }
0x59: {  	_ =	shalt  }
0x5a: {  	_ =	shalt  }
0x5b: {  	_ =	shalt  }
0x5c: {  	_ =	shalt  }
0x5d: {  	_ =	shalt  }
0x5e: {  	_ =	shalt  }
0x5f: {  	_ =	shalt  }
0x60: {  	_ =	shalt  }
0x61: {  	_ =	shalt  }
0x62: {  	_ =	shalt  }
0x63: {  	_ =	shalt  }
0x64: {  	_ =	shalt  }
0x65: {  	_ =	shalt  }
0x66: {  	_ =	shalt  }
0x67: {  	_ =	shalt  }
0x68: {  	_ =	shalt  }
0x69: {  	_ =	shalt  }
0x6a: {  	_ =	shalt  }
0x6b: {  	_ =	shalt  }
0x6c: {  	_ =	shalt  }
0x6d: {  	_ =	shalt  }
0x6e: {  	_ =	shalt  }
0x6f: {  	_ =	shalt  }
0x70: {  	_ =	shalt  }
0x71: {  	_ =	shalt  }
0x72: {  	_ =	shalt  }
0x73: {  	_ =	shalt  }
0x74: {  	_ =	shalt  }
0x75: {  	_ =	shalt  }
0x76: {  	_ =	shalt  }
0x77: {  	_ =	shalt  }
0x78: {  	_ =	shalt  }
0x79: {  	_ =	shalt  }
0x7a: {  	_ =	shalt  }
0x7b: {  	_ =	shalt  }
0x7c: {  	_ =	shalt  }
0x7d: {  	_ =	shalt  }
0x7e: {  	_ =	shalt  }
0x7f: {  	_ =	shalt  }
0x80: {  	_ =	shalt  }
0x81: {  	_ =	shalt  }
0x82: {  	_ =	shalt  }
0x83: {  	_ =	shalt  }
0x84: {  	_ =	shalt  }
0x85: {  	_ =	shalt  }
0x86: {  	_ =	shalt  }
0x87: {  	_ =	shalt  }
.Lfunc_end0:
.L_simem_size_0:
called_computation_lowered:
.L_overlay_start_0:
0x88: {  	s2 =	sld [smem:$0x3FD9]  }
0x89: {  	s3 =	sld [smem:$0x3FFE];
	_ =	sdelay $0x1  }
0x8a: {  	s1 =	srdreg.scid  }
0x8b: {  	s0 =	sand.u32 $0x1, s1  }
0x8c: {  	s17 =	sshll.u32 s0, $0xA;
	s2 =	sadd.s32 s3, s2  }
0x8d: {  	s2 =	sadd.s32 s2, s17  }
0x8e: {  	[smem:$0x3FC2] =	sst s2  }
0x8f: {  	_ = 	snop  }
0x90: {  	s4 =	sld [smem:$0x3FC8]  }
0x91: {  	s18 =	sld [smem:$0x3FD0];
	(tm) =	ssettm $0x1  }
0x92: {  	s19 =	sld [smem:$0x3FFB];
	_ =	sdelay $0x3  }
0x93: {  	_ =	strace s19  }
0x94: {  	s2 =	sld [smem:$0x3FFC];
	_ =	sdelay $0x3  }
0x95: {  	_ =	strace s2  }
0x96: {  	s2 =	sld [smem:$0x3FFD];
	_ =	sdelay $0x3  }
0x97: {  	_ =	strace s2  }
0x98: {  	_ =	strace $0x8FFFFFFF  }
0x99: {  	s20 =	sld [smem:$0x3FDB];
	_ =	sdelay $0x1  }
0x9a: {  	s5 =	simm.s32 $_scs_section_size  }
0x9b: {  	s6 =	simm.s32 $_size__tile_overlayer_lowered;
	s7 =	simm.s32 $_tile_overlayer_lowered  }
0x9c: {  	s8 =	simm.s32 $0x1BFF;
	s21 =	sshll.u32 s7, $0x1;
	s5 =	sadd.s32 s5, s20  }
0x9d: {  	s22 =	simm.s32 $0x0;
	s6 =	sshll.u32 s6, $0x1;
	s7 =	sadd.s32 s21, s5  }
0x9e: {  	[timem:s22], [sflag:s8] =	dma.local [hbm:s7], s6  }
0x9f: {  	_ =	swait.ge [sflag:s8], s6  }
0xa0: {  	s6 =	ssub.s32 $0x0, s6;
	[sflag:s8] =	ssyncset.done $0x0  }
0xa1: {  	[sflag:s8] =	ssyncadd.s32 s6;
	_ =	sdelay $0x1  }
0xa2: {  	s23 =	simm.s32 $0x1B8B  }
0xa3: {  	_ =	swait.ge [sflag:s23], $0x1  }
0xa4: {  	[sflag:s23] =	ssyncset.done $0x0  }
0xa5: {  	[sflag:s23] =	ssyncadd.s32 $0xFFFFFFFF  }
0xa6: {  	s6 =	sld [smem:$0x0]  }
0xa7: {  	s7 =	sand.u32 $0xFFFFFFFE, s1  }
0xa8: {  	p0 =	sne.s32 s1, s7  }
0xa9: {  	s7 =	sshll.u32 @p0 s7, $0xE  }
0xaa: {  	s7 =	sadd.s32 @p0 $0x11B8D, s7;
	s8 =	sshll.u32 @p0 s6, $0x11  }
0xab: {  	s7 =	sor.u32 @p0 s8, s7  }
0xac: {  	[sflag:s7] =	ssyncadd.remote.s32 @p0 $0x1;
	_ =	sdelay $0x1  }
0xad: {  	s7 =	simm.s32 @p0 $0x1B8D  }
0xae: {  	_ =	swait.eq @p0 [sflag:s7], $0x1  }
0xaf: {  	[sflag:s7] =	ssyncadd.s32 @p0 $0xFFFFFFFF  }
0xb0: {  	s8 =	sshll.u32 @!p0 s1, $0xE  }
0xb1: {  	s8 =	sor.u32 @!p0 $0x4000, s8;
	s7 =	simm.s32 @!p0 $0x1B8D  }
0xb2: {  	s6 =	sshll.u32 @!p0 s6, $0x11;
	s8 =	sadd.s32 @!p0 $0x11B8D, s8;
	_ =	swait.eq @!p0 [sflag:s7], $0x1  }
0xb3: {  	s6 =	sor.u32 @!p0 s6, s8;
	[sflag:s7] =	ssyncadd.s32 @!p0 $0xFFFFFFFF  }
0xb4: {  	s25 =	simm.s32 $0x1B8E;
	s24 =	sld [smem:$0x3FFE];
	[sflag:s6] =	ssyncadd.remote.s32 @!p0 $0x1  }
0xb5: {  	s26 =	simm.s32 $execute0_lowered;
	[smem:$0x3FD2] =	sst s25  }
0xb6: {  	s7 =	sshll.u32 s26, $0x1;
	_ =	strace $0x80000049;
	[dreg:$0x1] =	wrdreg $0xFFFFFFFF  }
0xb7: {  	s28 =	simm.s32 $_size_execute0_lowered;
	s5 =	sadd.s32 s5, s7;
	[dreg:$0x0] =	wrdreg $0x0  }
0xb8: {  	s7 =	sshll.u32 s28, $0x1;
	[dreg:$0x2] =	wrdreg s5  }
0xb9: {  	[dreg:$0x3] =	wrdreg s7  }
0xba: {  	[dreg:$0x4] =	wrdreg $0xC0  }
0xbb: {  	_ =	task [dreg:s22], $0x5FFFF  }
0xbc: {  	[dreg:$0x1] =	wrdreg $0xFFFFFFFF  }
0xbd: {  	[dreg:$0x0] =	wrdreg $0x60  }
0xbe: {  	[dreg:$0x2] =	wrdreg s4  }
0xbf: {  	[dreg:$0x3] =	wrdreg s24  }
0xc0: {  	[dreg:$0x4] =	wrdreg s18  }
0xc1: {  	[dreg:$0x5] =	wrdreg $0x9  }
0xc2: {  	_ =	task.clear_ibuf [dreg:s22], $0x6FFFF;
	_ =	strace $0x90000049  }
0xc3: {  	s29 =	simm.s32 $0x9;
	_ =	strace $0x8000004B  }
0xc4: {  	_ =	swait.ge [sflag:s29], $0x1  }
0xc5: {  	[sflag:s29] =	ssyncadd.s32 $0xFFFFFFFF  }
0xc6: {  	_ =	strace $0x9000004B  }
0xc7: {  	_ =	sfence  }
0xc8: {  	s30 =	sld [smem:$0x0];
	_ =	sdelay $0x2  }
0xc9: {  	s31 =	sshll.u32 s1, $0xD;
	s1 =	sshrl.u32 s1, $0x2  }
0xca: {  	s4 =	sand.u32 $0x4000, s31;
	s1 =	sadd.s32 s1, s30  }
0xcb: {  	s0 =	sor.u32 s4, s0;
	s1 =	sshll.u32 s1, $0x11  }
0xcc: {  	s0 =	sor.u32 s1, s0  }
0xcd: {  	s0 =	sadd.s32 $0x8F2B, s0  }
0xce: {  	[sflag:s0] =	ssyncadd.remote.s32 $0x1  }
0xcf: {  	_ =	sfence.sel $0xFFFF  }
0xd0: {  	[dreg:$0x0] =	wrdreg $0xFFFFFFFF;
	(pc) =	sbr.abs _section_cstart, $3  }
0xd1: {  	[dreg:$0x1] =	wrdreg $0xFFFFFFFF  }
0xd2: {  	_ =	task.clear_ibuf [dreg:s22], $0x2FFFF;
	_ =	strace $0x9FFFFFFF  }
0xd3: {  	(tm) =	ssettm $0x7FFFFFFF  }
tec
execute0_lowered:
.L_overlay_start_1:
0x0: {  	(tag) =	ssettag $0x1  }
0x1: {  	s4 =	rddreg [dreg:$0x0]  }
0x2: {  	s3 =	rddreg [dreg:$0x1]  }
0x3: {  	s5 =	rddreg [dreg:$0x2]  }
0x4: {  	s0 =	rddreg [dreg:$0x3]  }
0x5: {  	s2 =	simm.s32 $0x0;
	s6 =	srdreg.scid;
	s1 =	stileid.u32  }
0x6: {  	s10 =	simm.s32 $0x400;
	s11 =	simm.s32 $0x280;
	s12 =	simm.s32 $0x4400  }
0x7: {  	s13 =	simm.s32 $0x300;
	s14 =	simm.s32 $0x8400;
	s15 =	simm.s32 $0x380  }
0x8: {  	s16 =	simm.s32 $0xC400;
	s17 =	simm.s32 $0x1;
	s18 =	simm.s32 $0x0  }
0x9: {  	[smem:$0x7FF] =	sst s2;
	s6 =	sand.u32 $0x1, s6;
	s8 =	sshll.u32 s1, $0xA  }
0xa: {  	s3 =	sadd.s32 $0x801600, s3;
	s7 =	ssub.s32 $0x2, s6;
	s6 =	sshll.u32 s6, $0x9  }
0xb: {  	_ =	strace $0x8000004A;
	s9 =	sshrl.u32 s7, $0x1;
	s6 =	sor.u32 s6, s8  }
0xc: {  	s7 =	ssub.s32 s7, s9;
	s8 =	sshrl.u32 s6, $0x3;
	s6 =	sshll.u32 s6, $0x4  }
0xd: {  	s9 =	simm.s32 $0x200;
	s4 =	sadd.s32 s4, s8;
	s5 =	sadd.s32 s5, s6  }
0xe: {  	s6 =	smax.u32 s7, $0x1;
	s7 =	simm.s32 $0x2;
	s8 =	simm.s32 $0x80  }
.LBB2_1:
0xf: {  	[tilespmem:s2], [sflag:$0x2] =	stream.linear.gather [hbm4b:s4+s2], $0x200, $0x38;
	[tilespmem:$0x10400] =	vst v63  }
0x10: {  	_ =	swait.ge [sflag:s7], $0x200  }
0x11: {  	[sflag:s7] =	ssyncset.done $0x0  }
0x12: {  	s19 =	simm.s32 $0x0;
	[sflag:s7] =	ssyncadd.s32 $0xFFFFFE00  }
0x13: {  	s20 =	simm.s32 $0x40;
	v0 =	vld [tilespmem:s19+$0x0]  }
.LBB2_2:
0x14: {  	_ =	sdelay $0x1  }
0x15: {  	p0 =	sne.s32 s20, $0x7C0  }
.Ltmp0:
0x16: {  	_ = 	snop;
	(pc) =	sbr.rel @p0 .LBB2_2-.Ltmp0, $4  }
0x17: {  	v1 =	vshrl.u32 v0, $0x1  }
0x18: {  	v2 =	vand.u32 $0x1FFF, v0;
	v1 =	vand.u32 $0x7FFFE000, v1  }
0x19: {  	s21 =	sshra.s32 s20, $0x2;
	v1 =	vor.u32 v2, v1  }
0x1a: {  	s20 =	sadd.s32 $0x40, s20;
	v0 =	vld [tilespmem:s21+$0x0];
	[tilespmem:s19+$0x200] =	vst v1;
	s19 =	smov.u32 s21  }
0x1b: {  	_ =	sdelay $0x3  }
0x1c: {  	v1 =	vshrl.u32 v0, $0x1  }
0x1d: {  	v63 =	vand.u32 $0x1FFF, v0;
	v1 =	vand.u32 $0x7FFFE000, v1  }
0x1e: {  	v0 =	vor.u32 v63, v1  }
0x1f: {  	[tilespmem:s19+$0x200] =	vst v0  }
0x20: {  	[tilespmem:s10], [sflag:$0x1] =	stream.indirect.gather [hbm4b:s3+s8], $0x80, s9, s8, $0xb8;
	[tilespmem:$0x10400] =	vst v63  }
0x21: {  	_ = 	snop  }
0x22: {  	[tilespmem:s12], [sflag:$0x1] =	stream.indirect.gather [hbm4b:s3+s8], $0x80, s11, s8, $0xb8;
	[tilespmem:$0x10400] =	vst v63  }
0x23: {  	_ = 	snop  }
0x24: {  	[tilespmem:s14], [sflag:$0x1] =	stream.indirect.gather [hbm4b:s3+s8], $0x80, s13, s8, $0xb8;
	[tilespmem:$0x10400] =	vst v63  }
0x25: {  	_ = 	snop  }
0x26: {  	[tilespmem:s16], [sflag:$0x1] =	stream.indirect.gather [hbm4b:s3+s8], $0x80, s15, s8, $0xb8;
	[tilespmem:$0x10400] =	vst v63  }
0x27: {  	_ =	swait.ge [sflag:s17], $0x4000  }
0x28: {  	[sflag:s17] =	ssyncset.done $0x0  }
0x29: {  	[sflag:s17] =	ssyncadd.s32 $0xFFFFC000  }
0x2a: {  	_ =	swait.ge [sflag:s17], $0x4000  }
0x2b: {  	[sflag:s17] =	ssyncset.done $0x0  }
0x2c: {  	[sflag:s17] =	ssyncadd.s32 $0xFFFFC000  }
0x2d: {  	_ =	swait.ge [sflag:s17], $0x4000  }
0x2e: {  	[sflag:s17] =	ssyncset.done $0x0  }
0x2f: {  	[sflag:s17] =	ssyncadd.s32 $0xFFFFC000  }
0x30: {  	s18 =	sadd.s32 $0x1, s18;
	_ =	swait.ge [sflag:s17], $0x4000  }
0x31: {  	p0 =	sne.s32 s18, s6;
	[sflag:s17] =	ssyncset.done $0x0  }
.Ltmp1:
0x32: {  	[sflag:s17] =	ssyncadd.s32 $0xFFFFC000;
	(pc) =	sbr.rel @p0 .LBB2_1-.Ltmp1, $4  }
0x33: {  	[hbm4b:s5+s2] =	stream.linear.scatter [tilespmem:s10], [sflag:$0x2], $0x10000, $0x38;
	[tilespmem:$0x10400] =	vst v63  }
0x34: {  	_ =	swait.ge [sflag:s7], $0x10000  }
0x35: {  	[sflag:s7] =	ssyncset.done $0x0  }
0x36: {  	[sflag:s7] =	ssyncadd.s32 $0xFFFF0000  }
0x37: {  	_ =	sfence.sel $0x180000  }
0x38: {  	[bflag:$0x0] =	sbarrier.arrive $0xFFFF  }
0x39: {  	p0 =	sne.s32 s1, $0x0;
	_ =	strace $0x9000004A  }
0x3a: {  	s0 =	sadd.s32 @!p0 $0x100000, s0;
	[bflag:$0x2] =	sbarrier.arrive $0xFFFF  }
0x3b: {  	[sflag:s0] =	ssyncadd.tile.s32 @!p0 $0x1;
	_ =	shalt  }
.Lfunc_end2:
_tile_overlayer_lowered:
.L_overlay_start_2:
0x3c: {  	(tag) =	ssettag $0x2  }
0x3d: {  	s0 =	rddreg [dreg:$0x0];
	s2 =	stileid.u32  }
0x3e: {  	s1 =	rddreg [dreg:$0x1];
	p0 =	sne.s32 s2, $0x0  }
0x3f: {  	s3 =	rddreg [dreg:$0x2];
	[bflag:$0x3] =	sbarrier.arrive $0xFFFF;
	s2 =	simm.s32 @!p0 $0x1C02  }
0x40: {  	[timem:s3], [sflag:s2] =	dma.local @!p0 [hbm:s0], s1  }
0x41: {  	s0 =	simm.s32 @!p0 $0x2  }
0x42: {  	_ =	swait.ge @!p0 [sflag:s0], s1  }
0x43: {  	s1 =	ssub.s32 @!p0 $0x0, s1;
	[sflag:s0] =	ssyncset.done @!p0 $0x0  }
0x44: {  	[sflag:s0] =	ssyncadd.s32 @!p0 s1  }
0x45: {  	[bflag:$0x3] =	sbarrier.arrive $0xFFFF  }
0x46: {  	_ =	shalt  }

</sc_bundles>
